<compile_context>
chip_gen: v7x
topology: tpu7x:2x2x1
jax: 0.10.2.dev20260603
libtpu: 0.0.44.dev20260713+nightly
codegen_flags: <defaults>
</compile_context>

<pallas_src>
import functools

import jax
import jax.numpy as jnp
from jax.experimental import pallas as pl
from jax.experimental.pallas import tpu as pltpu
from jax.experimental.pallas import tpu_sc as plsc

_T = 2048
_H = 768
_INTER = 1024
_E = 64
_CAP = 128
_ROWS = (_E + 1) * _CAP
_CHUNK = 256

_NC, _NS = 2, 16
_NW = _NC * _NS
_TPW = _T // _NW


_HW = _H // 2


def _pack_rows(y):
    yb = y.astype(jnp.bfloat16)
    lo = jax.lax.bitcast_convert_type(yb[:, :_HW], jnp.uint16).astype(jnp.uint32)
    hi = jax.lax.bitcast_convert_type(yb[:, _HW:], jnp.uint16).astype(jnp.uint32)
    return jax.lax.bitcast_convert_type(lo | (hi << 16), jnp.int32)


def _unpack_rows(v):
    vu = jax.lax.bitcast_convert_type(v, jnp.uint32)
    lo = jax.lax.bitcast_convert_type((vu & 0xFFFF).astype(jnp.uint16),
                                      jnp.bfloat16)
    hi = jax.lax.bitcast_convert_type((vu >> 16).astype(jnp.uint16),
                                      jnp.bfloat16)
    return jnp.concatenate([lo, hi], axis=1)


def _router_body(xf_ref, wg_ref, usage_ref, lbl_ref, top_ref, dst_ref, xb_ref):
    xf = xf_ref[...]
    wg = wg_ref[...]
    xb_ref[...] = _pack_rows(xf)
    logits_t = jax.lax.dot_general(
        wg, xf, (((1,), (1,)), ((), ())), preferred_element_type=jnp.float32)
    m = jnp.max(logits_t, axis=0, keepdims=True)
    ex = jnp.exp(logits_t - m)
    s = jnp.sum(ex, axis=0, keepdims=True)
    probs_t = ex / s
    usage = jnp.mean(probs_t, axis=1, keepdims=True)
    usage_ref[...] = usage
    lbl_ref[...] = float(_E) * jnp.sum(usage * usage, keepdims=True)
    iota_e = jax.lax.broadcasted_iota(jnp.int32, (_E, 1), 0)
    e_t = jnp.min(jnp.where(logits_t == m, iota_e, _E), axis=0)
    top_ref[...] = e_t[None, :]

    r_i = jax.lax.broadcasted_iota(jnp.int32, (_CHUNK, _CHUNK), 0)
    c_i = jax.lax.broadcasted_iota(jnp.int32, (_CHUNK, _CHUNK), 1)
    upper = (r_i < c_i).astype(jnp.float32)
    carry = jnp.zeros((_E, 1), jnp.float32)
    for i in range(_T // _CHUNK):
        ech = jax.lax.slice(e_t, (i * _CHUNK,), ((i + 1) * _CHUNK,))
        ohc = (iota_e == ech[None, :]).astype(jnp.float32)
        posm = jax.lax.dot_general(
            ohc, upper, (((1,), (0,)), ((), ())),
            preferred_element_type=jnp.float32) + carry
        pos = jnp.sum(posm * ohc, axis=0).astype(jnp.int32)
        carry = carry + jnp.sum(ohc, axis=1, keepdims=True)
        dst_ref[0, i * _CHUNK:(i + 1) * _CHUNK] = jnp.where(
            pos < _CAP, ech * _CAP + pos, _E * _CAP)


_router = pl.pallas_call(
    _router_body,
    out_shape=(
        jax.ShapeDtypeStruct((_E, 1), jnp.float32),
        jax.ShapeDtypeStruct((1, 1), jnp.float32),
        jax.ShapeDtypeStruct((1, _T), jnp.int32),
        jax.ShapeDtypeStruct((1, _T), jnp.int32),
        jax.ShapeDtypeStruct((_T, _HW), jnp.int32),
    ),
)


def _ffn_body(buf_ref, wup_ref, bup_ref, wdown_ref, bdown_ref, out_ref):
    e = pl.program_id(0)
    x = _unpack_rows(buf_ref[0]).astype(jnp.float32)
    h = jax.lax.dot_general(
        x, wup_ref[0], (((1,), (0,)), ((), ())),
        preferred_element_type=jnp.float32) + bup_ref[0]
    h = 0.5 * h * (1.0 + jax.lax.erf(h * 0.7071067811865476))
    y = jax.lax.dot_general(
        h, wdown_ref[0], (((1,), (0,)), ((), ())),
        preferred_element_type=jnp.float32) + bdown_ref[0]
    out_ref[0] = _pack_rows(jnp.where(e < _E, y, 0.0))


_ffn = pl.pallas_call(
    _ffn_body,
    grid=(_E + 1,),
    in_specs=[
        pl.BlockSpec((1, _CAP, _HW), lambda e: (e, 0, 0)),
        pl.BlockSpec((1, _H, _INTER), lambda e: (jnp.minimum(e, _E - 1), 0, 0)),
        pl.BlockSpec((1, 1, _INTER), lambda e: (jnp.minimum(e, _E - 1), 0, 0)),
        pl.BlockSpec((1, _INTER, _H), lambda e: (jnp.minimum(e, _E - 1), 0, 0)),
        pl.BlockSpec((1, 1, _H), lambda e: (jnp.minimum(e, _E - 1), 0, 0)),
    ],
    out_specs=pl.BlockSpec((1, _CAP, _HW), lambda e: (e, 0, 0)),
    out_shape=jax.ShapeDtypeStruct((_E + 1, _CAP, _HW), jnp.int32),
)

@functools.lru_cache(maxsize=None)
def _sc_kernels():
    mesh = plsc.VectorSubcoreMesh(core_axis_name="c", subcore_axis_name="s")

    half = _TPW // 2
    sc_scratch = [
        pltpu.VMEM((half,), jnp.int32),
        pltpu.VMEM((half,), jnp.int32),
        pltpu.VMEM((half, _HW), jnp.int32),
        pltpu.VMEM((half, _HW), jnp.int32),
        pltpu.SemaphoreType.DMA,
        pltpu.SemaphoreType.DMA,
        pltpu.SemaphoreType.DMA,
        pltpu.SemaphoreType.DMA,
    ]

    @functools.partial(
        pl.kernel, mesh=mesh,
        out_type=jax.ShapeDtypeStruct((_ROWS, _HW), jnp.int32),
        scratch_types=sc_scratch,
    )
    def dispatch(xb_hbm, dst_hbm, buf_hbm,
                 idx_a, idx_b, rows_a, rows_b, s1, s2, s3, s4):
        wid = jax.lax.axis_index("s") * _NC + jax.lax.axis_index("c")
        base = wid * _TPW
        i0 = pltpu.async_copy(dst_hbm.at[pl.ds(base, half)], idx_a, s1)
        i1 = pltpu.async_copy(dst_hbm.at[pl.ds(base + half, half)], idx_b, s2)
        r0 = pltpu.async_copy(xb_hbm.at[pl.ds(base, half)], rows_a, s3)
        r1 = pltpu.async_copy(xb_hbm.at[pl.ds(base + half, half)], rows_b, s4)
        i0.wait()
        r0.wait()
        w0 = pltpu.async_copy(rows_a, buf_hbm.at[idx_a], s1)
        i1.wait()
        r1.wait()
        w1 = pltpu.async_copy(rows_b, buf_hbm.at[idx_b], s2)
        w0.wait()
        w1.wait()

    @functools.partial(
        pl.kernel, mesh=mesh,
        out_type=jax.ShapeDtypeStruct((_T, _HW), jnp.int32),
        scratch_types=sc_scratch,
    )
    def combine(eo_hbm, dst_hbm, out_hbm,
                idx_a, idx_b, rows_a, rows_b, s1, s2, s3, s4):
        wid = jax.lax.axis_index("s") * _NC + jax.lax.axis_index("c")
        base = wid * _TPW
        i0 = pltpu.async_copy(dst_hbm.at[pl.ds(base, half)], idx_a, s1)
        i1 = pltpu.async_copy(dst_hbm.at[pl.ds(base + half, half)], idx_b, s2)
        i0.wait()
        g0 = pltpu.async_copy(eo_hbm.at[idx_a], rows_a, s3)
        i1.wait()
        g1 = pltpu.async_copy(eo_hbm.at[idx_b], rows_b, s4)
        g0.wait()
        w0 = pltpu.async_copy(rows_a, out_hbm.at[pl.ds(base, half)], s1)
        g1.wait()
        w1 = pltpu.async_copy(rows_b, out_hbm.at[pl.ds(base + half, half)], s2)
        w0.wait()
        w1.wait()

    return dispatch, combine


def kernel(x, Wg, Wup, bup, Wdown, bdown):
    b, s, h = x.shape
    xf = x.reshape(b * s, h)
    dispatch, combine = _sc_kernels()
    usage, lbl, top2d, dst2d, xb = _router(xf, Wg)
    dst = dst2d.reshape(b * s)
    buf = dispatch(xb, dst)
    eo = _ffn(buf.reshape(_E + 1, _CAP, _HW), Wup,
              bup.reshape(_E, 1, _INTER), Wdown, bdown.reshape(_E, 1, h))
    out = combine(eo.reshape(_ROWS, _HW), dst)
    out_f = _unpack_rows(out).astype(jnp.float32)
    return (out_f.reshape(b, s, h), lbl[0, 0], usage.reshape(_E),
            top2d.reshape(b, s))

# --- scband reference (transcript-rebuilt; emitter-appended) ---
"""Pipeline reference for scband-mo-elayer-72524817760454 (READ-ONLY COPY).

The authoritative reference and input builder live on the scoring server;
editing this copy changes nothing except your own understanding.
"""

import jax, jax.numpy as jnp
import numpy as np

B, S, HIDDEN = 1, 2048, 768
INTER = 1024
E = 64
K = 1
CAP = 128  # capacity per expert; 4x mean load (2048/64=32), overflow prob negligible


def setup_inputs(seed: int = 0) -> dict:
    key = jax.random.key(seed)
    ks = jax.random.split(key, 6)
    x = jax.random.normal(ks[0], (B, S, HIDDEN), dtype=jnp.float32)
    Wg = jax.random.normal(ks[1], (E, HIDDEN), dtype=jnp.float32) * 0.02
    Wup = jax.random.normal(ks[2], (E, HIDDEN, INTER), dtype=jnp.float32) * 0.02
    bup = jax.random.normal(ks[3], (E, INTER), dtype=jnp.float32) * 0.02
    Wdown = jax.random.normal(ks[4], (E, INTER, HIDDEN), dtype=jnp.float32) * 0.02
    bdown = jax.random.normal(ks[5], (E, HIDDEN), dtype=jnp.float32) * 0.02
    return {"x": x, "Wg": Wg, "Wup": Wup, "bup": bup, "Wdown": Wdown, "bdown": bdown}


def reference(x, Wg, Wup, bup, Wdown, bdown):
    Bb, Ss, H = x.shape
    T = Bb * Ss
    xf = x.reshape(T, H)
    # Router
    logits = xf @ Wg.T                      # [T, E]
    probs = jax.nn.softmax(logits, axis=-1)
    topk_p, topk_i = jax.lax.top_k(probs, K)  # [T, K]
    topk_p = topk_p / jnp.sum(topk_p, axis=-1, keepdims=True)
    # Flatten (token, k) dispatch pairs
    flat_e = topk_i.reshape(-1)             # [T*K]
    flat_w = topk_p.reshape(-1)             # [T*K]
    tok = jnp.repeat(jnp.arange(T), K)      # [T*K]
    oh = jax.nn.one_hot(flat_e, E, dtype=jnp.int32)  # [T*K, E]
    pos = jnp.sum(jnp.cumsum(oh, axis=0) * oh - oh, axis=1)  # position within expert
    keep = (pos < CAP)
    posc = jnp.minimum(pos, CAP - 1)
    keepf = keep.astype(x.dtype)
    # Dispatch: scatter tokens into per-expert capacity buffers
    buf = jnp.zeros((E, CAP, H), dtype=x.dtype).at[flat_e, posc].add(xf[tok] * keepf[:, None])
    # Expert FFN (batched over experts); torch nn.GELU is exact (erf) gelu
    h = jax.nn.gelu(jnp.einsum('ech,ehi->eci', buf, Wup) + bup[:, None, :], approximate=False)
    eo = jnp.einsum('eci,eih->ech', h, Wdown) + bdown[:, None, :]
    # Combine: gather each (token,k) slot, weight, scatter-add back to tokens
    gathered = eo[flat_e, posc] * keepf[:, None] * flat_w[:, None]
    out = jnp.zeros((T, H), dtype=x.dtype).at[tok].add(gathered).reshape(Bb, Ss, H)
    # Aux routing statistics
    expert_usage = probs.mean(axis=0)  # mean over (batch*seq)
    load_balance_loss = E * jnp.sum(expert_usage * expert_usage)
    top_expert = topk_i[:, 0].reshape(Bb, Ss)
    return out, load_balance_loss, expert_usage, top_expert

if __name__ == "__main__":
    import jax
    _d = setup_inputs()
    print(jax.jit(kernel)(*tuple(_d.values())))

</pallas_src>

<mosaic_0001>
#map = affine_map<(d0, d1) -> (0, 0)>
#map1 = affine_map<(d0, d1) -> (0)>
module attributes {stable_mosaic.version = 14 : i64} {
  func.func @dispatch(%arg0: i32, %arg1: i32, %arg2: memref<2048x384xi32, #tpu.memory_space<hbm>>, %arg3: memref<2048xi32, #tpu.memory_space<hbm>>, %arg4: memref<8320x384xi32, #tpu.memory_space<hbm>>, %arg5: memref<32xi32, #tpu.memory_space<vmem>>, %arg6: memref<32xi32, #tpu.memory_space<vmem>>, %arg7: memref<32x384xi32, #tpu.memory_space<vmem>>, %arg8: memref<32x384xi32, #tpu.memory_space<vmem>>, %arg9: memref<!tpu.dma_semaphore, #tpu.memory_space<semaphore_mem>>, %arg10: memref<!tpu.dma_semaphore, #tpu.memory_space<semaphore_mem>>, %arg11: memref<!tpu.dma_semaphore, #tpu.memory_space<semaphore_mem>>, %arg12: memref<!tpu.dma_semaphore, #tpu.memory_space<semaphore_mem>>) attributes {dimension_semantics = [#tpu.dimension_semantics<core_parallel>, #tpu.dimension_semantics<subcore_parallel>], iteration_bounds = array<i64: 2, 16>, scalar_prefetch = 0 : i64, scratch_operands = 8 : i64, tpu.core_type = #tpu.core_type<sc_vector_subcore>, window_params = [{transform_indices = #map}, {transform_indices = #map1}, {transform_indices = #map}]} {
    %mul3A = arith.constant 2 : i32
    %mul3A_0 = arith.muli %arg1, %mul3A : i32
    %add3A = arith.addi %mul3A_0, %arg0 : i32
    %mul3A_1 = arith.constant 64 : i32
    %mul3A_2 = arith.muli %add3A, %mul3A_1 : i32
    %dma_start3A = tpu.memref_slice %arg3[%mul3A_2] : memref<2048xi32, #tpu.memory_space<hbm>> -> memref<32xi32, #tpu.memory_space<hbm>>
    %dma_start3A_3 = tpu.memref_slice %arg3[%mul3A_2] : memref<2048xi32, #tpu.memory_space<hbm>> -> memref<32xi32, #tpu.memory_space<hbm>>
    tpu.enqueue_dma source(%dma_start3A_3 : memref<32xi32, #tpu.memory_space<hbm>>) target(%arg5 : memref<32xi32, #tpu.memory_space<vmem>>) target_semaphore(%arg9 : memref<!tpu.dma_semaphore, #tpu.memory_space<semaphore_mem>>)
    %add3A_4 = arith.constant 32 : i32
    %add3A_5 = arith.addi %mul3A_2, %add3A_4 : i32
    %dma_start3A_6 = tpu.memref_slice %arg3[%add3A_5] : memref<2048xi32, #tpu.memory_space<hbm>> -> memref<32xi32, #tpu.memory_space<hbm>>
    %dma_start3A_7 = tpu.memref_slice %arg3[%add3A_5] : memref<2048xi32, #tpu.memory_space<hbm>> -> memref<32xi32, #tpu.memory_space<hbm>>
    tpu.enqueue_dma source(%dma_start3A_7 : memref<32xi32, #tpu.memory_space<hbm>>) target(%arg6 : memref<32xi32, #tpu.memory_space<vmem>>) target_semaphore(%arg10 : memref<!tpu.dma_semaphore, #tpu.memory_space<semaphore_mem>>)
    %dma_start3A_8 = arith.constant 0 : i32
    %dma_start3A_9 = tpu.memref_slice %arg2[%mul3A_2, %dma_start3A_8] : memref<2048x384xi32, #tpu.memory_space<hbm>> -> memref<32x384xi32, #tpu.memory_space<hbm>>
    %dma_start3A_10 = arith.constant 0 : i32
    %dma_start3A_11 = tpu.memref_slice %arg2[%mul3A_2, %dma_start3A_10] : memref<2048x384xi32, #tpu.memory_space<hbm>> -> memref<32x384xi32, #tpu.memory_space<hbm>>
    tpu.enqueue_dma source(%dma_start3A_11 : memref<32x384xi32, #tpu.memory_space<hbm>>) target(%arg7 : memref<32x384xi32, #tpu.memory_space<vmem>>) target_semaphore(%arg11 : memref<!tpu.dma_semaphore, #tpu.memory_space<semaphore_mem>>)
    %add3A_12 = arith.constant 32 : i32
    %add3A_13 = arith.addi %mul3A_2, %add3A_12 : i32
    %dma_start3A_14 = arith.constant 0 : i32
    %dma_start3A_15 = tpu.memref_slice %arg2[%add3A_13, %dma_start3A_14] : memref<2048x384xi32, #tpu.memory_space<hbm>> -> memref<32x384xi32, #tpu.memory_space<hbm>>
    %dma_start3A_16 = arith.constant 0 : i32
    %dma_start3A_17 = tpu.memref_slice %arg2[%add3A_13, %dma_start3A_16] : memref<2048x384xi32, #tpu.memory_space<hbm>> -> memref<32x384xi32, #tpu.memory_space<hbm>>
    tpu.enqueue_dma source(%dma_start3A_17 : memref<32x384xi32, #tpu.memory_space<hbm>>) target(%arg8 : memref<32x384xi32, #tpu.memory_space<vmem>>) target_semaphore(%arg12 : memref<!tpu.dma_semaphore, #tpu.memory_space<semaphore_mem>>)
    %dma_wait3A = tpu.memref_slice %arg3[%mul3A_2] : memref<2048xi32, #tpu.memory_space<hbm>> -> memref<32xi32, #tpu.memory_space<hbm>>
    %dma_wait3A_18 = tpu.memref_slice %arg3[%mul3A_2] : memref<2048xi32, #tpu.memory_space<hbm>> -> memref<32xi32, #tpu.memory_space<hbm>>
    tpu.wait_dma2 semaphore(%arg9 : memref<!tpu.dma_semaphore, #tpu.memory_space<semaphore_mem>>) src(%dma_wait3A_18 : memref<32xi32, #tpu.memory_space<hbm>>) dst(%arg5 : memref<32xi32, #tpu.memory_space<vmem>>)
    %dma_wait3A_19 = arith.constant 0 : i32
    %dma_wait3A_20 = tpu.memref_slice %arg2[%mul3A_2, %dma_wait3A_19] : memref<2048x384xi32, #tpu.memory_space<hbm>> -> memref<32x384xi32, #tpu.memory_space<hbm>>
    %dma_wait3A_21 = arith.constant 0 : i32
    %dma_wait3A_22 = tpu.memref_slice %arg2[%mul3A_2, %dma_wait3A_21] : memref<2048x384xi32, #tpu.memory_space<hbm>> -> memref<32x384xi32, #tpu.memory_space<hbm>>
    tpu.wait_dma2 semaphore(%arg11 : memref<!tpu.dma_semaphore, #tpu.memory_space<semaphore_mem>>) src(%dma_wait3A_22 : memref<32x384xi32, #tpu.memory_space<hbm>>) dst(%arg7 : memref<32x384xi32, #tpu.memory_space<vmem>>)
    %dma_start3A_23 = arith.constant 0 : i32
    %dma_start3A_24 = arith.constant 0 : i32
    %dma_start3A_25 = tpu.memref_slice %arg4[%dma_start3A_23, %dma_start3A_24] : memref<8320x384xi32, #tpu.memory_space<hbm>> -> memref<8320x384xi32, #tpu.memory_space<hbm>>
    tpu.enqueue_indirect_dma source(%arg7 : memref<32x384xi32, #tpu.memory_space<vmem>>) target(%dma_start3A_25 : memref<8320x384xi32, #tpu.memory_space<hbm>>) offsets(%arg5 : memref<32xi32, #tpu.memory_space<vmem>>) semaphore(%arg9 : memref<!tpu.dma_semaphore, #tpu.memory_space<semaphore_mem>>)
    %dma_wait3A_26 = tpu.memref_slice %arg3[%add3A_5] : memref<2048xi32, #tpu.memory_space<hbm>> -> memref<32xi32, #tpu.memory_space<hbm>>
    %dma_wait3A_27 = tpu.memref_slice %arg3[%add3A_5] : memref<2048xi32, #tpu.memory_space<hbm>> -> memref<32xi32, #tpu.memory_space<hbm>>
    tpu.wait_dma2 semaphore(%arg10 : memref<!tpu.dma_semaphore, #tpu.memory_space<semaphore_mem>>) src(%dma_wait3A_27 : memref<32xi32, #tpu.memory_space<hbm>>) dst(%arg6 : memref<32xi32, #tpu.memory_space<vmem>>)
    %dma_wait3A_28 = arith.constant 0 : i32
    %dma_wait3A_29 = tpu.memref_slice %arg2[%add3A_13, %dma_wait3A_28] : memref<2048x384xi32, #tpu.memory_space<hbm>> -> memref<32x384xi32, #tpu.memory_space<hbm>>
    %dma_wait3A_30 = arith.constant 0 : i32
    %dma_wait3A_31 = tpu.memref_slice %arg2[%add3A_13, %dma_wait3A_30] : memref<2048x384xi32, #tpu.memory_space<hbm>> -> memref<32x384xi32, #tpu.memory_space<hbm>>
    tpu.wait_dma2 semaphore(%arg12 : memref<!tpu.dma_semaphore, #tpu.memory_space<semaphore_mem>>) src(%dma_wait3A_31 : memref<32x384xi32, #tpu.memory_space<hbm>>) dst(%arg8 : memref<32x384xi32, #tpu.memory_space<vmem>>)
    %dma_start3A_32 = arith.constant 0 : i32
    %dma_start3A_33 = arith.constant 0 : i32
    %dma_start3A_34 = tpu.memref_slice %arg4[%dma_start3A_32, %dma_start3A_33] : memref<8320x384xi32, #tpu.memory_space<hbm>> -> memref<8320x384xi32, #tpu.memory_space<hbm>>
    tpu.enqueue_indirect_dma source(%arg8 : memref<32x384xi32, #tpu.memory_space<vmem>>) target(%dma_start3A_34 : memref<8320x384xi32, #tpu.memory_space<hbm>>) offsets(%arg6 : memref<32xi32, #tpu.memory_space<vmem>>) semaphore(%arg10 : memref<!tpu.dma_semaphore, #tpu.memory_space<semaphore_mem>>)
    %dma_wait3A_35 = arith.constant 0 : i32
    %dma_wait3A_36 = arith.constant 0 : i32
    %dma_wait3A_37 = tpu.memref_slice %arg4[%dma_wait3A_35, %dma_wait3A_36] : memref<8320x384xi32, #tpu.memory_space<hbm>> -> memref<8320x384xi32, #tpu.memory_space<hbm>>
    tpu.wait_indirect_dma semaphore(%arg9 : memref<!tpu.dma_semaphore, #tpu.memory_space<semaphore_mem>>) src(%arg7 : memref<32x384xi32, #tpu.memory_space<vmem>>) dst(%dma_wait3A_37 : memref<8320x384xi32, #tpu.memory_space<hbm>>)
    %dma_wait3A_38 = arith.constant 0 : i32
    %dma_wait3A_39 = arith.constant 0 : i32
    %dma_wait3A_40 = tpu.memref_slice %arg4[%dma_wait3A_38, %dma_wait3A_39] : memref<8320x384xi32, #tpu.memory_space<hbm>> -> memref<8320x384xi32, #tpu.memory_space<hbm>>
    tpu.wait_indirect_dma semaphore(%arg10 : memref<!tpu.dma_semaphore, #tpu.memory_space<semaphore_mem>>) src(%arg8 : memref<32x384xi32, #tpu.memory_space<vmem>>) dst(%dma_wait3A_40 : memref<8320x384xi32, #tpu.memory_space<hbm>>)
    return
  }
}

#map = affine_map<(d0, d1) -> (0, 0)>
#map1 = affine_map<(d0, d1) -> (0)>
module attributes {stable_mosaic.version = 14 : i64} {
  func.func @combine(%arg0: i32, %arg1: i32, %arg2: memref<8320x384xi32, #tpu.memory_space<hbm>>, %arg3: memref<2048xi32, #tpu.memory_space<hbm>>, %arg4: memref<2048x384xi32, #tpu.memory_space<hbm>>, %arg5: memref<32xi32, #tpu.memory_space<vmem>>, %arg6: memref<32xi32, #tpu.memory_space<vmem>>, %arg7: memref<32x384xi32, #tpu.memory_space<vmem>>, %arg8: memref<32x384xi32, #tpu.memory_space<vmem>>, %arg9: memref<!tpu.dma_semaphore, #tpu.memory_space<semaphore_mem>>, %arg10: memref<!tpu.dma_semaphore, #tpu.memory_space<semaphore_mem>>, %arg11: memref<!tpu.dma_semaphore, #tpu.memory_space<semaphore_mem>>, %arg12: memref<!tpu.dma_semaphore, #tpu.memory_space<semaphore_mem>>) attributes {dimension_semantics = [#tpu.dimension_semantics<core_parallel>, #tpu.dimension_semantics<subcore_parallel>], iteration_bounds = array<i64: 2, 16>, scalar_prefetch = 0 : i64, scratch_operands = 8 : i64, tpu.core_type = #tpu.core_type<sc_vector_subcore>, window_params = [{transform_indices = #map}, {transform_indices = #map1}, {transform_indices = #map}]} {
    %mul3A = arith.constant 2 : i32
    %mul3A_0 = arith.muli %arg1, %mul3A : i32
    %add3A = arith.addi %mul3A_0, %arg0 : i32
    %mul3A_1 = arith.constant 64 : i32
    %mul3A_2 = arith.muli %add3A, %mul3A_1 : i32
    %dma_start3A = tpu.memref_slice %arg3[%mul3A_2] : memref<2048xi32, #tpu.memory_space<hbm>> -> memref<32xi32, #tpu.memory_space<hbm>>
    %dma_start3A_3 = tpu.memref_slice %arg3[%mul3A_2] : memref<2048xi32, #tpu.memory_space<hbm>> -> memref<32xi32, #tpu.memory_space<hbm>>
    tpu.enqueue_dma source(%dma_start3A_3 : memref<32xi32, #tpu.memory_space<hbm>>) target(%arg5 : memref<32xi32, #tpu.memory_space<vmem>>) target_semaphore(%arg9 : memref<!tpu.dma_semaphore, #tpu.memory_space<semaphore_mem>>)
    %add3A_4 = arith.constant 32 : i32
    %add3A_5 = arith.addi %mul3A_2, %add3A_4 : i32
    %dma_start3A_6 = tpu.memref_slice %arg3[%add3A_5] : memref<2048xi32, #tpu.memory_space<hbm>> -> memref<32xi32, #tpu.memory_space<hbm>>
    %dma_start3A_7 = tpu.memref_slice %arg3[%add3A_5] : memref<2048xi32, #tpu.memory_space<hbm>> -> memref<32xi32, #tpu.memory_space<hbm>>
    tpu.enqueue_dma source(%dma_start3A_7 : memref<32xi32, #tpu.memory_space<hbm>>) target(%arg6 : memref<32xi32, #tpu.memory_space<vmem>>) target_semaphore(%arg10 : memref<!tpu.dma_semaphore, #tpu.memory_space<semaphore_mem>>)
    %dma_wait3A = tpu.memref_slice %arg3[%mul3A_2] : memref<2048xi32, #tpu.memory_space<hbm>> -> memref<32xi32, #tpu.memory_space<hbm>>
    %dma_wait3A_8 = tpu.memref_slice %arg3[%mul3A_2] : memref<2048xi32, #tpu.memory_space<hbm>> -> memref<32xi32, #tpu.memory_space<hbm>>
    tpu.wait_dma2 semaphore(%arg9 : memref<!tpu.dma_semaphore, #tpu.memory_space<semaphore_mem>>) src(%dma_wait3A_8 : memref<32xi32, #tpu.memory_space<hbm>>) dst(%arg5 : memref<32xi32, #tpu.memory_space<vmem>>)
    %dma_start3A_9 = arith.constant 0 : i32
    %dma_start3A_10 = arith.constant 0 : i32
    %dma_start3A_11 = tpu.memref_slice %arg2[%dma_start3A_9, %dma_start3A_10] : memref<8320x384xi32, #tpu.memory_space<hbm>> -> memref<8320x384xi32, #tpu.memory_space<hbm>>
    tpu.enqueue_indirect_dma source(%dma_start3A_11 : memref<8320x384xi32, #tpu.memory_space<hbm>>) target(%arg7 : memref<32x384xi32, #tpu.memory_space<vmem>>) offsets(%arg5 : memref<32xi32, #tpu.memory_space<vmem>>) semaphore(%arg11 : memref<!tpu.dma_semaphore, #tpu.memory_space<semaphore_mem>>)
    %dma_wait3A_12 = tpu.memref_slice %arg3[%add3A_5] : memref<2048xi32, #tpu.memory_space<hbm>> -> memref<32xi32, #tpu.memory_space<hbm>>
    %dma_wait3A_13 = tpu.memref_slice %arg3[%add3A_5] : memref<2048xi32, #tpu.memory_space<hbm>> -> memref<32xi32, #tpu.memory_space<hbm>>
    tpu.wait_dma2 semaphore(%arg10 : memref<!tpu.dma_semaphore, #tpu.memory_space<semaphore_mem>>) src(%dma_wait3A_13 : memref<32xi32, #tpu.memory_space<hbm>>) dst(%arg6 : memref<32xi32, #tpu.memory_space<vmem>>)
    %dma_start3A_14 = arith.constant 0 : i32
    %dma_start3A_15 = arith.constant 0 : i32
    %dma_start3A_16 = tpu.memref_slice %arg2[%dma_start3A_14, %dma_start3A_15] : memref<8320x384xi32, #tpu.memory_space<hbm>> -> memref<8320x384xi32, #tpu.memory_space<hbm>>
    tpu.enqueue_indirect_dma source(%dma_start3A_16 : memref<8320x384xi32, #tpu.memory_space<hbm>>) target(%arg8 : memref<32x384xi32, #tpu.memory_space<vmem>>) offsets(%arg6 : memref<32xi32, #tpu.memory_space<vmem>>) semaphore(%arg12 : memref<!tpu.dma_semaphore, #tpu.memory_space<semaphore_mem>>)
    %dma_wait3A_17 = arith.constant 0 : i32
    %dma_wait3A_18 = arith.constant 0 : i32
    %dma_wait3A_19 = tpu.memref_slice %arg2[%dma_wait3A_17, %dma_wait3A_18] : memref<8320x384xi32, #tpu.memory_space<hbm>> -> memref<8320x384xi32, #tpu.memory_space<hbm>>
    tpu.wait_indirect_dma semaphore(%arg11 : memref<!tpu.dma_semaphore, #tpu.memory_space<semaphore_mem>>) src(%dma_wait3A_19 : memref<8320x384xi32, #tpu.memory_space<hbm>>) dst(%arg7 : memref<32x384xi32, #tpu.memory_space<vmem>>)
    %dma_start3A_20 = arith.constant 0 : i32
    %dma_start3A_21 = tpu.memref_slice %arg4[%mul3A_2, %dma_start3A_20] : memref<2048x384xi32, #tpu.memory_space<hbm>> -> memref<32x384xi32, #tpu.memory_space<hbm>>
    %dma_start3A_22 = arith.constant 0 : i32
    %dma_start3A_23 = tpu.memref_slice %arg4[%mul3A_2, %dma_start3A_22] : memref<2048x384xi32, #tpu.memory_space<hbm>> -> memref<32x384xi32, #tpu.memory_space<hbm>>
    tpu.enqueue_dma source(%arg7 : memref<32x384xi32, #tpu.memory_space<vmem>>) target(%dma_start3A_23 : memref<32x384xi32, #tpu.memory_space<hbm>>) target_semaphore(%arg9 : memref<!tpu.dma_semaphore, #tpu.memory_space<semaphore_mem>>)
    %dma_wait3A_24 = arith.constant 0 : i32
    %dma_wait3A_25 = arith.constant 0 : i32
    %dma_wait3A_26 = tpu.memref_slice %arg2[%dma_wait3A_24, %dma_wait3A_25] : memref<8320x384xi32, #tpu.memory_space<hbm>> -> memref<8320x384xi32, #tpu.memory_space<hbm>>
    tpu.wait_indirect_dma semaphore(%arg12 : memref<!tpu.dma_semaphore, #tpu.memory_space<semaphore_mem>>) src(%dma_wait3A_26 : memref<8320x384xi32, #tpu.memory_space<hbm>>) dst(%arg8 : memref<32x384xi32, #tpu.memory_space<vmem>>)
    %add3A_27 = arith.constant 32 : i32
    %add3A_28 = arith.addi %mul3A_2, %add3A_27 : i32
    %dma_start3A_29 = arith.constant 0 : i32
    %dma_start3A_30 = tpu.memref_slice %arg4[%add3A_28, %dma_start3A_29] : memref<2048x384xi32, #tpu.memory_space<hbm>> -> memref<32x384xi32, #tpu.memory_space<hbm>>
    %dma_start3A_31 = arith.constant 0 : i32
    %dma_start3A_32 = tpu.memref_slice %arg4[%add3A_28, %dma_start3A_31] : memref<2048x384xi32, #tpu.memory_space<hbm>> -> memref<32x384xi32, #tpu.memory_space<hbm>>
    tpu.enqueue_dma source(%arg8 : memref<32x384xi32, #tpu.memory_space<vmem>>) target(%dma_start3A_32 : memref<32x384xi32, #tpu.memory_space<hbm>>) target_semaphore(%arg10 : memref<!tpu.dma_semaphore, #tpu.memory_space<semaphore_mem>>)
    %dma_wait3A_33 = arith.constant 0 : i32
    %dma_wait3A_34 = tpu.memref_slice %arg4[%mul3A_2, %dma_wait3A_33] : memref<2048x384xi32, #tpu.memory_space<hbm>> -> memref<32x384xi32, #tpu.memory_space<hbm>>
    %dma_wait3A_35 = arith.constant 0 : i32
    %dma_wait3A_36 = tpu.memref_slice %arg4[%mul3A_2, %dma_wait3A_35] : memref<2048x384xi32, #tpu.memory_space<hbm>> -> memref<32x384xi32, #tpu.memory_space<hbm>>
    tpu.wait_dma2 semaphore(%arg9 : memref<!tpu.dma_semaphore, #tpu.memory_space<semaphore_mem>>) src(%arg7 : memref<32x384xi32, #tpu.memory_space<vmem>>) dst(%dma_wait3A_36 : memref<32x384xi32, #tpu.memory_space<hbm>>)
    %dma_wait3A_37 = arith.constant 0 : i32
    %dma_wait3A_38 = tpu.memref_slice %arg4[%add3A_28, %dma_wait3A_37] : memref<2048x384xi32, #tpu.memory_space<hbm>> -> memref<32x384xi32, #tpu.memory_space<hbm>>
    %dma_wait3A_39 = arith.constant 0 : i32
    %dma_wait3A_40 = tpu.memref_slice %arg4[%add3A_28, %dma_wait3A_39] : memref<2048x384xi32, #tpu.memory_space<hbm>> -> memref<32x384xi32, #tpu.memory_space<hbm>>
    tpu.wait_dma2 semaphore(%arg10 : memref<!tpu.dma_semaphore, #tpu.memory_space<semaphore_mem>>) src(%arg8 : memref<32x384xi32, #tpu.memory_space<vmem>>) dst(%dma_wait3A_40 : memref<32x384xi32, #tpu.memory_space<hbm>>)
    return
  }
}

module attributes {stable_mosaic.version = 14 : i64} {
  func.func @_router_body(%arg0: memref<2048x768xf32, #tpu.memory_space<vmem>>, %arg1: memref<64x768xf32, #tpu.memory_space<vmem>>, %arg2: memref<64x1xf32, #tpu.memory_space<vmem>>, %arg3: memref<1x1xf32, #tpu.memory_space<vmem>>, %arg4: memref<1x2048xi32, #tpu.memory_space<vmem>>, %arg5: memref<1x2048xi32, #tpu.memory_space<vmem>>, %arg6: memref<2048x384xi32, #tpu.memory_space<vmem>>) attributes {dimension_semantics = [], scalar_prefetch = 0 : i64, scratch_operands = 0 : i64, tpu.core_type = #tpu.core_type<tc>} {
    %get3A = arith.constant 0 : index
    %get3A_0 = arith.constant 0 : index
    %get3A_1 = vector.load %arg0[%get3A, %get3A_0] : memref<2048x768xf32, #tpu.memory_space<vmem>>, vector<2048x768xf32>
    %get3A_2 = arith.constant 0 : index
    %get3A_3 = arith.constant 0 : index
    %get3A_4 = vector.load %arg1[%get3A_2, %get3A_3] : memref<64x768xf32, #tpu.memory_space<vmem>>, vector<64x768xf32>
    %convert_element_type3A = arith.truncf %get3A_1 : vector<2048x768xf32> to vector<2048x768xbf16>
    %slice3A = vector.extract_strided_slice %convert_element_type3A {offsets = [0, 0], sizes = [2048, 384], strides = [1, 1]} : vector<2048x768xbf16> to vector<2048x384xbf16>
    %bitcast_convert_type3A = tpu.bitcast %slice3A : vector<2048x384xbf16> -> vector<2048x384xi16>
    %convert_element_type3A_5 = arith.extui %bitcast_convert_type3A : vector<2048x384xi16> to vector<2048x384xi32>
    %slice3A_6 = vector.extract_strided_slice %convert_element_type3A {offsets = [0, 384], sizes = [2048, 384], strides = [1, 1]} : vector<2048x768xbf16> to vector<2048x384xbf16>
    %bitcast_convert_type3A_7 = tpu.bitcast %slice3A_6 : vector<2048x384xbf16> -> vector<2048x384xi16>
    %convert_element_type3A_8 = arith.extui %bitcast_convert_type3A_7 : vector<2048x384xi16> to vector<2048x384xi32>
    %shift_left3A = arith.constant 16 : i32
    %shift_left3A_9 = vector.broadcast %shift_left3A : i32 to vector<2048x384xi32>
    %shift_left3A_10 = arith.shli %convert_element_type3A_8, %shift_left3A_9 : vector<2048x384xi32>
    %or3A = arith.ori %convert_element_type3A_5, %shift_left3A_10 : vector<2048x384xi32>
    %bitcast_convert_type3A_11 = tpu.bitcast %or3A : vector<2048x384xi32> -> vector<2048x384xi32>
    %swap3A = arith.constant 0 : index
    %swap3A_12 = arith.constant 0 : index
    %swap3A_13 = vector.load %arg6[%swap3A, %swap3A_12] : memref<2048x384xi32, #tpu.memory_space<vmem>>, vector<2048x384xi32>
    tpu.vector_store %arg6[%swap3A, %swap3A_12], %bitcast_convert_type3A_11 {strides = array<i32>} : memref<2048x384xi32, #tpu.memory_space<vmem>>, vector<2048x384xi32>,
    %dot_general3A = arith.constant dense<0.000000e+00> : vector<64x2048xf32>
    %dot_general3A_14 = tpu.matmul %get3A_4, %get3A_1, %dot_general3A {dimension_numbers = #tpu.dot_dimension_numbers<[1], [1], [0], [0], [0, 0, 1, 0], [], []>, transpose_lhs_hint = false} : vector<64x768xf32>, vector<2048x768xf32>, vector<64x2048xf32> -> vector<64x2048xf32>
    %reduce_max3A = arith.constant dense<0xFF800000> : vector<2048xf32>
    %reduce_max3A_15 = vector.multi_reduction <maximumf>, %dot_general3A_14, %reduce_max3A [0] : vector<64x2048xf32> to vector<2048xf32>
    %broadcast_in_dim3A = vector.shape_cast %reduce_max3A_15 : vector<2048xf32> to vector<1x2048xf32>
    %sub3A = vector.broadcast %broadcast_in_dim3A : vector<1x2048xf32> to vector<64x2048xf32>
    %sub3A_16 = arith.subf %dot_general3A_14, %sub3A : vector<64x2048xf32>
    %exp3A = math.exp %sub3A_16 : vector<64x2048xf32>
    %reduce_sum3A = arith.constant dense<0.000000e+00> : vector<2048xf32>
    %reduce_sum3A_17 = vector.multi_reduction <add>, %exp3A, %reduce_sum3A [0] : vector<64x2048xf32> to vector<2048xf32>
    %broadcast_in_dim3A_18 = vector.shape_cast %reduce_sum3A_17 : vector<2048xf32> to vector<1x2048xf32>
    %div3A = vector.broadcast %broadcast_in_dim3A_18 : vector<1x2048xf32> to vector<64x2048xf32>
    %div3A_19 = arith.divf %exp3A, %div3A : vector<64x2048xf32>
    %reduce_sum3A_20 = arith.constant dense<0.000000e+00> : vector<64xf32>
    %reduce_sum3A_21 = vector.multi_reduction <add>, %div3A_19, %reduce_sum3A_20 [1] : vector<64x2048xf32> to vector<64xf32>
    %broadcast_in_dim3A_22 = vector.shape_cast %reduce_sum3A_21 : vector<64xf32> to vector<64x1xf32>
    %div3A_23 = arith.constant 2.048000e+03 : f32
    %div3A_24 = vector.broadcast %div3A_23 : f32 to vector<64x1xf32>
    %div3A_25 = arith.divf %broadcast_in_dim3A_22, %div3A_24 : vector<64x1xf32>
    %swap3A_26 = arith.constant 0 : index
    %swap3A_27 = arith.constant 0 : index
    %swap3A_28 = vector.load %arg2[%swap3A_26, %swap3A_27] : memref<64x1xf32, #tpu.memory_space<vmem>>, vector<64x1xf32>
    tpu.vector_store %arg2[%swap3A_26, %swap3A_27], %div3A_25 {strides = array<i32>} : memref<64x1xf32, #tpu.memory_space<vmem>>, vector<64x1xf32>,
    %mul3A = arith.mulf %div3A_25, %div3A_25 : vector<64x1xf32>
    %reduce_sum3A_29 = vector.shape_cast %mul3A : vector<64x1xf32> to vector<1x64x1xf32>
    %reduce_sum3A_30 = arith.constant dense<0.000000e+00> : vector<1xf32>
    %reduce_sum3A_31 = vector.multi_reduction <add>, %reduce_sum3A_29, %reduce_sum3A_30 [1, 2] : vector<1x64x1xf32> to vector<1xf32>
    %reduce_sum3A_32 = vector.shape_cast %reduce_sum3A_31 : vector<1xf32> to vector<1x1x1xf32>
    %reduce_sum3A_33 = vector.extract %reduce_sum3A_32[0, 0, 0] : f32 from vector<1x1x1xf32>
    %broadcast_in_dim3A_34 = vector.broadcast %reduce_sum3A_33 : f32 to vector<1x1xf32>
    %mul3A_35 = arith.constant 6.400000e+01 : f32
    %mul3A_36 = vector.broadcast %mul3A_35 : f32 to vector<1x1xf32>
    %mul3A_37 = arith.mulf %mul3A_36, %broadcast_in_dim3A_34 : vector<1x1xf32>
    %swap3A_38 = arith.constant 0 : index
    %swap3A_39 = arith.constant 0 : index
    %swap3A_40 = vector.load %arg3[%swap3A_38, %swap3A_39] : memref<1x1xf32, #tpu.memory_space<vmem>>, vector<1x1xf32>
    tpu.vector_store %arg3[%swap3A_38, %swap3A_39], %mul3A_37 {strides = array<i32>} : memref<1x1xf32, #tpu.memory_space<vmem>>, vector<1x1xf32>,
    %iota3A = tpu.iota {dimensions = array<i32: 0>} : vector<64x1xi32>
    %eq3A = vector.broadcast %broadcast_in_dim3A : vector<1x2048xf32> to vector<64x2048xf32>
    %eq3A_41 = arith.cmpf oeq, %dot_general3A_14, %eq3A : vector<64x2048xf32>
    %jit3A = arith.constant 64 : i32
    %broadcast_in_dim3A_42 = vector.shape_cast %iota3A : vector<64x1xi32> to vector<64x1xi32>
    %broadcast_in_dim3A_43 = vector.broadcast %broadcast_in_dim3A_42 : vector<64x1xi32> to vector<64x2048xi32>
    %broadcast_in_dim3A_44 = vector.broadcast %jit3A : i32 to vector<64x2048xi32>
    %select_n3A = arith.select %eq3A_41, %broadcast_in_dim3A_43, %broadcast_in_dim3A_44 : vector<64x2048xi1>, vector<64x2048xi32>
    %reduce_min3A = arith.constant dense<2147483647> : vector<2048xi32>
    %reduce_min3A_45 = vector.multi_reduction <minsi>, %select_n3A, %reduce_min3A [0] : vector<64x2048xi32> to vector<2048xi32>
    %broadcast_in_dim3A_46 = vector.shape_cast %reduce_min3A_45 : vector<2048xi32> to vector<1x2048xi32>
    %swap3A_47 = arith.constant 0 : index
    %swap3A_48 = arith.constant 0 : index
    %swap3A_49 = vector.load %arg4[%swap3A_47, %swap3A_48] : memref<1x2048xi32, #tpu.memory_space<vmem>>, vector<1x2048xi32>
    tpu.vector_store %arg4[%swap3A_47, %swap3A_48], %broadcast_in_dim3A_46 {strides = array<i32>} : memref<1x2048xi32, #tpu.memory_space<vmem>>, vector<1x2048xi32>,
    %iota3A_50 = tpu.iota {dimensions = array<i32: 0>} : vector<256x256xi32>
    %iota3A_51 = tpu.iota {dimensions = array<i32: 1>} : vector<256x256xi32>
    %lt3A = arith.cmpi slt, %iota3A_50, %iota3A_51 : vector<256x256xi32>
    %convert_element_type3A_52 = arith.extui %lt3A : vector<256x256xi1> to vector<256x256xi32>
    %convert_element_type3A_53 = arith.sitofp %convert_element_type3A_52 : vector<256x256xi32> to vector<256x256xf32>
    %broadcast_in_dim3A_54 = arith.constant 0.000000e+00 : f32
    %broadcast_in_dim3A_55 = vector.broadcast %broadcast_in_dim3A_54 : f32 to vector<64x1xf32>
    %slice3A_56 = vector.extract_strided_slice %reduce_min3A_45 {offsets = [0], sizes = [256], strides = [1]} : vector<2048xi32> to vector<256xi32>
    %broadcast_in_dim3A_57 = vector.shape_cast %slice3A_56 : vector<256xi32> to vector<1x256xi32>
    %eq3A_58 = vector.broadcast %iota3A : vector<64x1xi32> to vector<64x256xi32>
    %eq3A_59 = vector.broadcast %broadcast_in_dim3A_57 : vector<1x256xi32> to vector<64x256xi32>
    %eq3A_60 = arith.cmpi eq, %eq3A_58, %eq3A_59 : vector<64x256xi32>
    %convert_element_type3A_61 = arith.extui %eq3A_60 : vector<64x256xi1> to vector<64x256xi32>
    %convert_element_type3A_62 = arith.sitofp %convert_element_type3A_61 : vector<64x256xi32> to vector<64x256xf32>
    %dot_general3A_63 = arith.constant dense<0.000000e+00> : vector<64x256xf32>
    %dot_general3A_64 = tpu.matmul %convert_element_type3A_62, %convert_element_type3A_53, %dot_general3A_63 {dimension_numbers = #tpu.dot_dimension_numbers<[1], [0], [0], [1], [0, 0, 1, 1], [], []>, transpose_lhs_hint = false} : vector<64x256xf32>, vector<256x256xf32>, vector<64x256xf32> -> vector<64x256xf32>
    %add3A = vector.broadcast %broadcast_in_dim3A_55 : vector<64x1xf32> to vector<64x256xf32>
    %add3A_65 = arith.addf %dot_general3A_64, %add3A : vector<64x256xf32>
    %mul3A_66 = arith.mulf %add3A_65, %convert_element_type3A_62 : vector<64x256xf32>
    %reduce_sum3A_67 = arith.constant dense<0.000000e+00> : vector<256xf32>
    %reduce_sum3A_68 = vector.multi_reduction <add>, %mul3A_66, %reduce_sum3A_67 [0] : vector<64x256xf32> to vector<256xf32>
    %convert_element_type3A_69 = arith.fptosi %reduce_sum3A_68 : vector<256xf32> to vector<256xi32>
    %reduce_sum3A_70 = arith.constant dense<0.000000e+00> : vector<64xf32>
    %reduce_sum3A_71 = vector.multi_reduction <add>, %convert_element_type3A_62, %reduce_sum3A_70 [1] : vector<64x256xf32> to vector<64xf32>
    %broadcast_in_dim3A_72 = vector.shape_cast %reduce_sum3A_71 : vector<64xf32> to vector<64x1xf32>
    %add3A_73 = arith.addf %broadcast_in_dim3A_55, %broadcast_in_dim3A_72 : vector<64x1xf32>
    %lt3A_74 = arith.constant 128 : i32
    %lt3A_75 = vector.broadcast %lt3A_74 : i32 to vector<256xi32>
    %lt3A_76 = arith.cmpi slt, %convert_element_type3A_69, %lt3A_75 : vector<256xi32>
    %mul3A_77 = arith.constant 128 : i32
    %mul3A_78 = vector.broadcast %mul3A_77 : i32 to vector<256xi32>
    %mul3A_79 = arith.muli %slice3A_56, %mul3A_78 : vector<256xi32>
    %add3A_80 = arith.addi %mul3A_79, %convert_element_type3A_69 : vector<256xi32>
    %jit3A_81 = arith.constant 8192 : i32
    %broadcast_in_dim3A_82 = vector.broadcast %jit3A_81 : i32 to vector<256xi32>
    %select_n3A_83 = arith.select %lt3A_76, %add3A_80, %broadcast_in_dim3A_82 : vector<256xi1>, vector<256xi32>
    %swap3A_84 = arith.constant 0 : index
    %swap3A_85 = arith.constant 0 : index
    %swap3A_86 = vector.load %arg5[%swap3A_84, %swap3A_85] : memref<1x2048xi32, #tpu.memory_space<vmem>>, vector<1x256xi32>
    %swap3A_87 = vector.shape_cast %swap3A_86 : vector<1x256xi32> to vector<256xi32>
    %swap3A_88 = vector.shape_cast %select_n3A_83 : vector<256xi32> to vector<1x256xi32>
    tpu.vector_store %arg5[%swap3A_84, %swap3A_85], %swap3A_88 {strides = array<i32>} : memref<1x2048xi32, #tpu.memory_space<vmem>>, vector<1x256xi32>,
    %slice3A_89 = vector.extract_strided_slice %reduce_min3A_45 {offsets = [256], sizes = [256], strides = [1]} : vector<2048xi32> to vector<256xi32>
    %broadcast_in_dim3A_90 = vector.shape_cast %slice3A_89 : vector<256xi32> to vector<1x256xi32>
    %eq3A_91 = vector.broadcast %iota3A : vector<64x1xi32> to vector<64x256xi32>
    %eq3A_92 = vector.broadcast %broadcast_in_dim3A_90 : vector<1x256xi32> to vector<64x256xi32>
    %eq3A_93 = arith.cmpi eq, %eq3A_91, %eq3A_92 : vector<64x256xi32>
    %convert_element_type3A_94 = arith.extui %eq3A_93 : vector<64x256xi1> to vector<64x256xi32>
    %convert_element_type3A_95 = arith.sitofp %convert_element_type3A_94 : vector<64x256xi32> to vector<64x256xf32>
    %dot_general3A_96 = arith.constant dense<0.000000e+00> : vector<64x256xf32>
    %dot_general3A_97 = tpu.matmul %convert_element_type3A_95, %convert_element_type3A_53, %dot_general3A_96 {dimension_numbers = #tpu.dot_dimension_numbers<[1], [0], [0], [1], [0, 0, 1, 1], [], []>, transpose_lhs_hint = false} : vector<64x256xf32>, vector<256x256xf32>, vector<64x256xf32> -> vector<64x256xf32>
    %add3A_98 = vector.broadcast %add3A_73 : vector<64x1xf32> to vector<64x256xf32>
    %add3A_99 = arith.addf %dot_general3A_97, %add3A_98 : vector<64x256xf32>
    %mul3A_100 = arith.mulf %add3A_99, %convert_element_type3A_95 : vector<64x256xf32>
    %reduce_sum3A_101 = arith.constant dense<0.000000e+00> : vector<256xf32>
    %reduce_sum3A_102 = vector.multi_reduction <add>, %mul3A_100, %reduce_sum3A_101 [0] : vector<64x256xf32> to vector<256xf32>
    %convert_element_type3A_103 = arith.fptosi %reduce_sum3A_102 : vector<256xf32> to vector<256xi32>
    %reduce_sum3A_104 = arith.constant dense<0.000000e+00> : vector<64xf32>
    %reduce_sum3A_105 = vector.multi_reduction <add>, %convert_element_type3A_95, %reduce_sum3A_104 [1] : vector<64x256xf32> to vector<64xf32>
    %broadcast_in_dim3A_106 = vector.shape_cast %reduce_sum3A_105 : vector<64xf32> to vector<64x1xf32>
    %add3A_107 = arith.addf %add3A_73, %broadcast_in_dim3A_106 : vector<64x1xf32>
    %lt3A_108 = arith.constant 128 : i32
    %lt3A_109 = vector.broadcast %lt3A_108 : i32 to vector<256xi32>
    %lt3A_110 = arith.cmpi slt, %convert_element_type3A_103, %lt3A_109 : vector<256xi32>
    %mul3A_111 = arith.constant 128 : i32
    %mul3A_112 = vector.broadcast %mul3A_111 : i32 to vector<256xi32>
    %mul3A_113 = arith.muli %slice3A_89, %mul3A_112 : vector<256xi32>
    %add3A_114 = arith.addi %mul3A_113, %convert_element_type3A_103 : vector<256xi32>
    %jit3A_115 = arith.constant 8192 : i32
    %broadcast_in_dim3A_116 = vector.broadcast %jit3A_115 : i32 to vector<256xi32>
    %select_n3A_117 = arith.select %lt3A_110, %add3A_114, %broadcast_in_dim3A_116 : vector<256xi1>, vector<256xi32>
    %swap3A_118 = arith.constant 0 : index
    %swap3A_119 = arith.constant 256 : index
    %swap3A_120 = vector.load %arg5[%swap3A_118, %swap3A_119] : memref<1x2048xi32, #tpu.memory_space<vmem>>, vector<1x256xi32>
    %swap3A_121 = vector.shape_cast %swap3A_120 : vector<1x256xi32> to vector<256xi32>
    %swap3A_122 = vector.shape_cast %select_n3A_117 : vector<256xi32> to vector<1x256xi32>
    tpu.vector_store %arg5[%swap3A_118, %swap3A_119], %swap3A_122 {strides = array<i32>} : memref<1x2048xi32, #tpu.memory_space<vmem>>, vector<1x256xi32>,
    %slice3A_123 = vector.extract_strided_slice %reduce_min3A_45 {offsets = [512], sizes = [256], strides = [1]} : vector<2048xi32> to vector<256xi32>
    %broadcast_in_dim3A_124 = vector.shape_cast %slice3A_123 : vector<256xi32> to vector<1x256xi32>
    %eq3A_125 = vector.broadcast %iota3A : vector<64x1xi32> to vector<64x256xi32>
    %eq3A_126 = vector.broadcast %broadcast_in_dim3A_124 : vector<1x256xi32> to vector<64x256xi32>
    %eq3A_127 = arith.cmpi eq, %eq3A_125, %eq3A_126 : vector<64x256xi32>
    %convert_element_type3A_128 = arith.extui %eq3A_127 : vector<64x256xi1> to vector<64x256xi32>
    %convert_element_type3A_129 = arith.sitofp %convert_element_type3A_128 : vector<64x256xi32> to vector<64x256xf32>
    %dot_general3A_130 = arith.constant dense<0.000000e+00> : vector<64x256xf32>
    %dot_general3A_131 = tpu.matmul %convert_element_type3A_129, %convert_element_type3A_53, %dot_general3A_130 {dimension_numbers = #tpu.dot_dimension_numbers<[1], [0], [0], [1], [0, 0, 1, 1], [], []>, transpose_lhs_hint = false} : vector<64x256xf32>, vector<256x256xf32>, vector<64x256xf32> -> vector<64x256xf32>
    %add3A_132 = vector.broadcast %add3A_107 : vector<64x1xf32> to vector<64x256xf32>
    %add3A_133 = arith.addf %dot_general3A_131, %add3A_132 : vector<64x256xf32>
    %mul3A_134 = arith.mulf %add3A_133, %convert_element_type3A_129 : vector<64x256xf32>
    %reduce_sum3A_135 = arith.constant dense<0.000000e+00> : vector<256xf32>
    %reduce_sum3A_136 = vector.multi_reduction <add>, %mul3A_134, %reduce_sum3A_135 [0] : vector<64x256xf32> to vector<256xf32>
    %convert_element_type3A_137 = arith.fptosi %reduce_sum3A_136 : vector<256xf32> to vector<256xi32>
    %reduce_sum3A_138 = arith.constant dense<0.000000e+00> : vector<64xf32>
    %reduce_sum3A_139 = vector.multi_reduction <add>, %convert_element_type3A_129, %reduce_sum3A_138 [1] : vector<64x256xf32> to vector<64xf32>
    %broadcast_in_dim3A_140 = vector.shape_cast %reduce_sum3A_139 : vector<64xf32> to vector<64x1xf32>
    %add3A_141 = arith.addf %add3A_107, %broadcast_in_dim3A_140 : vector<64x1xf32>
    %lt3A_142 = arith.constant 128 : i32
    %lt3A_143 = vector.broadcast %lt3A_142 : i32 to vector<256xi32>
    %lt3A_144 = arith.cmpi slt, %convert_element_type3A_137, %lt3A_143 : vector<256xi32>
    %mul3A_145 = arith.constant 128 : i32
    %mul3A_146 = vector.broadcast %mul3A_145 : i32 to vector<256xi32>
    %mul3A_147 = arith.muli %slice3A_123, %mul3A_146 : vector<256xi32>
    %add3A_148 = arith.addi %mul3A_147, %convert_element_type3A_137 : vector<256xi32>
    %jit3A_149 = arith.constant 8192 : i32
    %broadcast_in_dim3A_150 = vector.broadcast %jit3A_149 : i32 to vector<256xi32>
    %select_n3A_151 = arith.select %lt3A_144, %add3A_148, %broadcast_in_dim3A_150 : vector<256xi1>, vector<256xi32>
    %swap3A_152 = arith.constant 0 : index
    %swap3A_153 = arith.constant 512 : index
    %swap3A_154 = vector.load %arg5[%swap3A_152, %swap3A_153] : memref<1x2048xi32, #tpu.memory_space<vmem>>, vector<1x256xi32>
    %swap3A_155 = vector.shape_cast %swap3A_154 : vector<1x256xi32> to vector<256xi32>
    %swap3A_156 = vector.shape_cast %select_n3A_151 : vector<256xi32> to vector<1x256xi32>
    tpu.vector_store %arg5[%swap3A_152, %swap3A_153], %swap3A_156 {strides = array<i32>} : memref<1x2048xi32, #tpu.memory_space<vmem>>, vector<1x256xi32>,
    %slice3A_157 = vector.extract_strided_slice %reduce_min3A_45 {offsets = [768], sizes = [256], strides = [1]} : vector<2048xi32> to vector<256xi32>
    %broadcast_in_dim3A_158 = vector.shape_cast %slice3A_157 : vector<256xi32> to vector<1x256xi32>
    %eq3A_159 = vector.broadcast %iota3A : vector<64x1xi32> to vector<64x256xi32>
    %eq3A_160 = vector.broadcast %broadcast_in_dim3A_158 : vector<1x256xi32> to vector<64x256xi32>
    %eq3A_161 = arith.cmpi eq, %eq3A_159, %eq3A_160 : vector<64x256xi32>
    %convert_element_type3A_162 = arith.extui %eq3A_161 : vector<64x256xi1> to vector<64x256xi32>
    %convert_element_type3A_163 = arith.sitofp %convert_element_type3A_162 : vector<64x256xi32> to vector<64x256xf32>
    %dot_general3A_164 = arith.constant dense<0.000000e+00> : vector<64x256xf32>
    %dot_general3A_165 = tpu.matmul %convert_element_type3A_163, %convert_element_type3A_53, %dot_general3A_164 {dimension_numbers = #tpu.dot_dimension_numbers<[1], [0], [0], [1], [0, 0, 1, 1], [], []>, transpose_lhs_hint = false} : vector<64x256xf32>, vector<256x256xf32>, vector<64x256xf32> -> vector<64x256xf32>
    %add3A_166 = vector.broadcast %add3A_141 : vector<64x1xf32> to vector<64x256xf32>
    %add3A_167 = arith.addf %dot_general3A_165, %add3A_166 : vector<64x256xf32>
    %mul3A_168 = arith.mulf %add3A_167, %convert_element_type3A_163 : vector<64x256xf32>
    %reduce_sum3A_169 = arith.constant dense<0.000000e+00> : vector<256xf32>
    %reduce_sum3A_170 = vector.multi_reduction <add>, %mul3A_168, %reduce_sum3A_169 [0] : vector<64x256xf32> to vector<256xf32>
    %convert_element_type3A_171 = arith.fptosi %reduce_sum3A_170 : vector<256xf32> to vector<256xi32>
    %reduce_sum3A_172 = arith.constant dense<0.000000e+00> : vector<64xf32>
    %reduce_sum3A_173 = vector.multi_reduction <add>, %convert_element_type3A_163, %reduce_sum3A_172 [1] : vector<64x256xf32> to vector<64xf32>
    %broadcast_in_dim3A_174 = vector.shape_cast %reduce_sum3A_173 : vector<64xf32> to vector<64x1xf32>
    %add3A_175 = arith.addf %add3A_141, %broadcast_in_dim3A_174 : vector<64x1xf32>
    %lt3A_176 = arith.constant 128 : i32
    %lt3A_177 = vector.broadcast %lt3A_176 : i32 to vector<256xi32>
    %lt3A_178 = arith.cmpi slt, %convert_element_type3A_171, %lt3A_177 : vector<256xi32>
    %mul3A_179 = arith.constant 128 : i32
    %mul3A_180 = vector.broadcast %mul3A_179 : i32 to vector<256xi32>
    %mul3A_181 = arith.muli %slice3A_157, %mul3A_180 : vector<256xi32>
    %add3A_182 = arith.addi %mul3A_181, %convert_element_type3A_171 : vector<256xi32>
    %jit3A_183 = arith.constant 8192 : i32
    %broadcast_in_dim3A_184 = vector.broadcast %jit3A_183 : i32 to vector<256xi32>
    %select_n3A_185 = arith.select %lt3A_178, %add3A_182, %broadcast_in_dim3A_184 : vector<256xi1>, vector<256xi32>
    %swap3A_186 = arith.constant 0 : index
    %swap3A_187 = arith.constant 768 : index
    %swap3A_188 = vector.load %arg5[%swap3A_186, %swap3A_187] : memref<1x2048xi32, #tpu.memory_space<vmem>>, vector<1x256xi32>
    %swap3A_189 = vector.shape_cast %swap3A_188 : vector<1x256xi32> to vector<256xi32>
    %swap3A_190 = vector.shape_cast %select_n3A_185 : vector<256xi32> to vector<1x256xi32>
    tpu.vector_store %arg5[%swap3A_186, %swap3A_187], %swap3A_190 {strides = array<i32>} : memref<1x2048xi32, #tpu.memory_space<vmem>>, vector<1x256xi32>,
    %slice3A_191 = vector.extract_strided_slice %reduce_min3A_45 {offsets = [1024], sizes = [256], strides = [1]} : vector<2048xi32> to vector<256xi32>
    %broadcast_in_dim3A_192 = vector.shape_cast %slice3A_191 : vector<256xi32> to vector<1x256xi32>
    %eq3A_193 = vector.broadcast %iota3A : vector<64x1xi32> to vector<64x256xi32>
    %eq3A_194 = vector.broadcast %broadcast_in_dim3A_192 : vector<1x256xi32> to vector<64x256xi32>
    %eq3A_195 = arith.cmpi eq, %eq3A_193, %eq3A_194 : vector<64x256xi32>
    %convert_element_type3A_196 = arith.extui %eq3A_195 : vector<64x256xi1> to vector<64x256xi32>
    %convert_element_type3A_197 = arith.sitofp %convert_element_type3A_196 : vector<64x256xi32> to vector<64x256xf32>
    %dot_general3A_198 = arith.constant dense<0.000000e+00> : vector<64x256xf32>
    %dot_general3A_199 = tpu.matmul %convert_element_type3A_197, %convert_element_type3A_53, %dot_general3A_198 {dimension_numbers = #tpu.dot_dimension_numbers<[1], [0], [0], [1], [0, 0, 1, 1], [], []>, transpose_lhs_hint = false} : vector<64x256xf32>, vector<256x256xf32>, vector<64x256xf32> -> vector<64x256xf32>
    %add3A_200 = vector.broadcast %add3A_175 : vector<64x1xf32> to vector<64x256xf32>
    %add3A_201 = arith.addf %dot_general3A_199, %add3A_200 : vector<64x256xf32>
    %mul3A_202 = arith.mulf %add3A_201, %convert_element_type3A_197 : vector<64x256xf32>
    %reduce_sum3A_203 = arith.constant dense<0.000000e+00> : vector<256xf32>
    %reduce_sum3A_204 = vector.multi_reduction <add>, %mul3A_202, %reduce_sum3A_203 [0] : vector<64x256xf32> to vector<256xf32>
    %convert_element_type3A_205 = arith.fptosi %reduce_sum3A_204 : vector<256xf32> to vector<256xi32>
    %reduce_sum3A_206 = arith.constant dense<0.000000e+00> : vector<64xf32>
    %reduce_sum3A_207 = vector.multi_reduction <add>, %convert_element_type3A_197, %reduce_sum3A_206 [1] : vector<64x256xf32> to vector<64xf32>
    %broadcast_in_dim3A_208 = vector.shape_cast %reduce_sum3A_207 : vector<64xf32> to vector<64x1xf32>
    %add3A_209 = arith.addf %add3A_175, %broadcast_in_dim3A_208 : vector<64x1xf32>
    %lt3A_210 = arith.constant 128 : i32
    %lt3A_211 = vector.broadcast %lt3A_210 : i32 to vector<256xi32>
    %lt3A_212 = arith.cmpi slt, %convert_element_type3A_205, %lt3A_211 : vector<256xi32>
    %mul3A_213 = arith.constant 128 : i32
    %mul3A_214 = vector.broadcast %mul3A_213 : i32 to vector<256xi32>
    %mul3A_215 = arith.muli %slice3A_191, %mul3A_214 : vector<256xi32>
    %add3A_216 = arith.addi %mul3A_215, %convert_element_type3A_205 : vector<256xi32>
    %jit3A_217 = arith.constant 8192 : i32
    %broadcast_in_dim3A_218 = vector.broadcast %jit3A_217 : i32 to vector<256xi32>
    %select_n3A_219 = arith.select %lt3A_212, %add3A_216, %broadcast_in_dim3A_218 : vector<256xi1>, vector<256xi32>
    %swap3A_220 = arith.constant 0 : index
    %swap3A_221 = arith.constant 1024 : index
    %swap3A_222 = vector.load %arg5[%swap3A_220, %swap3A_221] : memref<1x2048xi32, #tpu.memory_space<vmem>>, vector<1x256xi32>
    %swap3A_223 = vector.shape_cast %swap3A_222 : vector<1x256xi32> to vector<256xi32>
    %swap3A_224 = vector.shape_cast %select_n3A_219 : vector<256xi32> to vector<1x256xi32>
    tpu.vector_store %arg5[%swap3A_220, %swap3A_221], %swap3A_224 {strides = array<i32>} : memref<1x2048xi32, #tpu.memory_space<vmem>>, vector<1x256xi32>,
    %slice3A_225 = vector.extract_strided_slice %reduce_min3A_45 {offsets = [1280], sizes = [256], strides = [1]} : vector<2048xi32> to vector<256xi32>
    %broadcast_in_dim3A_226 = vector.shape_cast %slice3A_225 : vector<256xi32> to vector<1x256xi32>
    %eq3A_227 = vector.broadcast %iota3A : vector<64x1xi32> to vector<64x256xi32>
    %eq3A_228 = vector.broadcast %broadcast_in_dim3A_226 : vector<1x256xi32> to vector<64x256xi32>
    %eq3A_229 = arith.cmpi eq, %eq3A_227, %eq3A_228 : vector<64x256xi32>
    %convert_element_type3A_230 = arith.extui %eq3A_229 : vector<64x256xi1> to vector<64x256xi32>
    %convert_element_type3A_231 = arith.sitofp %convert_element_type3A_230 : vector<64x256xi32> to vector<64x256xf32>
    %dot_general3A_232 = arith.constant dense<0.000000e+00> : vector<64x256xf32>
    %dot_general3A_233 = tpu.matmul %convert_element_type3A_231, %convert_element_type3A_53, %dot_general3A_232 {dimension_numbers = #tpu.dot_dimension_numbers<[1], [0], [0], [1], [0, 0, 1, 1], [], []>, transpose_lhs_hint = false} : vector<64x256xf32>, vector<256x256xf32>, vector<64x256xf32> -> vector<64x256xf32>
    %add3A_234 = vector.broadcast %add3A_209 : vector<64x1xf32> to vector<64x256xf32>
    %add3A_235 = arith.addf %dot_general3A_233, %add3A_234 : vector<64x256xf32>
    %mul3A_236 = arith.mulf %add3A_235, %convert_element_type3A_231 : vector<64x256xf32>
    %reduce_sum3A_237 = arith.constant dense<0.000000e+00> : vector<256xf32>
    %reduce_sum3A_238 = vector.multi_reduction <add>, %mul3A_236, %reduce_sum3A_237 [0] : vector<64x256xf32> to vector<256xf32>
    %convert_element_type3A_239 = arith.fptosi %reduce_sum3A_238 : vector<256xf32> to vector<256xi32>
    %reduce_sum3A_240 = arith.constant dense<0.000000e+00> : vector<64xf32>
    %reduce_sum3A_241 = vector.multi_reduction <add>, %convert_element_type3A_231, %reduce_sum3A_240 [1] : vector<64x256xf32> to vector<64xf32>
    %broadcast_in_dim3A_242 = vector.shape_cast %reduce_sum3A_241 : vector<64xf32> to vector<64x1xf32>
    %add3A_243 = arith.addf %add3A_209, %broadcast_in_dim3A_242 : vector<64x1xf32>
    %lt3A_244 = arith.constant 128 : i32
    %lt3A_245 = vector.broadcast %lt3A_244 : i32 to vector<256xi32>
    %lt3A_246 = arith.cmpi slt, %convert_element_type3A_239, %lt3A_245 : vector<256xi32>
    %mul3A_247 = arith.constant 128 : i32
    %mul3A_248 = vector.broadcast %mul3A_247 : i32 to vector<256xi32>
    %mul3A_249 = arith.muli %slice3A_225, %mul3A_248 : vector<256xi32>
    %add3A_250 = arith.addi %mul3A_249, %convert_element_type3A_239 : vector<256xi32>
    %jit3A_251 = arith.constant 8192 : i32
    %broadcast_in_dim3A_252 = vector.broadcast %jit3A_251 : i32 to vector<256xi32>
    %select_n3A_253 = arith.select %lt3A_246, %add3A_250, %broadcast_in_dim3A_252 : vector<256xi1>, vector<256xi32>
    %swap3A_254 = arith.constant 0 : index
    %swap3A_255 = arith.constant 1280 : index
    %swap3A_256 = vector.load %arg5[%swap3A_254, %swap3A_255] : memref<1x2048xi32, #tpu.memory_space<vmem>>, vector<1x256xi32>
    %swap3A_257 = vector.shape_cast %swap3A_256 : vector<1x256xi32> to vector<256xi32>
    %swap3A_258 = vector.shape_cast %select_n3A_253 : vector<256xi32> to vector<1x256xi32>
    tpu.vector_store %arg5[%swap3A_254, %swap3A_255], %swap3A_258 {strides = array<i32>} : memref<1x2048xi32, #tpu.memory_space<vmem>>, vector<1x256xi32>,
    %slice3A_259 = vector.extract_strided_slice %reduce_min3A_45 {offsets = [1536], sizes = [256], strides = [1]} : vector<2048xi32> to vector<256xi32>
    %broadcast_in_dim3A_260 = vector.shape_cast %slice3A_259 : vector<256xi32> to vector<1x256xi32>
    %eq3A_261 = vector.broadcast %iota3A : vector<64x1xi32> to vector<64x256xi32>
    %eq3A_262 = vector.broadcast %broadcast_in_dim3A_260 : vector<1x256xi32> to vector<64x256xi32>
    %eq3A_263 = arith.cmpi eq, %eq3A_261, %eq3A_262 : vector<64x256xi32>
    %convert_element_type3A_264 = arith.extui %eq3A_263 : vector<64x256xi1> to vector<64x256xi32>
    %convert_element_type3A_265 = arith.sitofp %convert_element_type3A_264 : vector<64x256xi32> to vector<64x256xf32>
    %dot_general3A_266 = arith.constant dense<0.000000e+00> : vector<64x256xf32>
    %dot_general3A_267 = tpu.matmul %convert_element_type3A_265, %convert_element_type3A_53, %dot_general3A_266 {dimension_numbers = #tpu.dot_dimension_numbers<[1], [0], [0], [1], [0, 0, 1, 1], [], []>, transpose_lhs_hint = false} : vector<64x256xf32>, vector<256x256xf32>, vector<64x256xf32> -> vector<64x256xf32>
    %add3A_268 = vector.broadcast %add3A_243 : vector<64x1xf32> to vector<64x256xf32>
    %add3A_269 = arith.addf %dot_general3A_267, %add3A_268 : vector<64x256xf32>
    %mul3A_270 = arith.mulf %add3A_269, %convert_element_type3A_265 : vector<64x256xf32>
    %reduce_sum3A_271 = arith.constant dense<0.000000e+00> : vector<256xf32>
    %reduce_sum3A_272 = vector.multi_reduction <add>, %mul3A_270, %reduce_sum3A_271 [0] : vector<64x256xf32> to vector<256xf32>
    %convert_element_type3A_273 = arith.fptosi %reduce_sum3A_272 : vector<256xf32> to vector<256xi32>
    %reduce_sum3A_274 = arith.constant dense<0.000000e+00> : vector<64xf32>
    %reduce_sum3A_275 = vector.multi_reduction <add>, %convert_element_type3A_265, %reduce_sum3A_274 [1] : vector<64x256xf32> to vector<64xf32>
    %broadcast_in_dim3A_276 = vector.shape_cast %reduce_sum3A_275 : vector<64xf32> to vector<64x1xf32>
    %add3A_277 = arith.addf %add3A_243, %broadcast_in_dim3A_276 : vector<64x1xf32>
    %lt3A_278 = arith.constant 128 : i32
    %lt3A_279 = vector.broadcast %lt3A_278 : i32 to vector<256xi32>
    %lt3A_280 = arith.cmpi slt, %convert_element_type3A_273, %lt3A_279 : vector<256xi32>
    %mul3A_281 = arith.constant 128 : i32
    %mul3A_282 = vector.broadcast %mul3A_281 : i32 to vector<256xi32>
    %mul3A_283 = arith.muli %slice3A_259, %mul3A_282 : vector<256xi32>
    %add3A_284 = arith.addi %mul3A_283, %convert_element_type3A_273 : vector<256xi32>
    %jit3A_285 = arith.constant 8192 : i32
    %broadcast_in_dim3A_286 = vector.broadcast %jit3A_285 : i32 to vector<256xi32>
    %select_n3A_287 = arith.select %lt3A_280, %add3A_284, %broadcast_in_dim3A_286 : vector<256xi1>, vector<256xi32>
    %swap3A_288 = arith.constant 0 : index
    %swap3A_289 = arith.constant 1536 : index
    %swap3A_290 = vector.load %arg5[%swap3A_288, %swap3A_289] : memref<1x2048xi32, #tpu.memory_space<vmem>>, vector<1x256xi32>
    %swap3A_291 = vector.shape_cast %swap3A_290 : vector<1x256xi32> to vector<256xi32>
    %swap3A_292 = vector.shape_cast %select_n3A_287 : vector<256xi32> to vector<1x256xi32>
    tpu.vector_store %arg5[%swap3A_288, %swap3A_289], %swap3A_292 {strides = array<i32>} : memref<1x2048xi32, #tpu.memory_space<vmem>>, vector<1x256xi32>,
    %slice3A_293 = vector.extract_strided_slice %reduce_min3A_45 {offsets = [1792], sizes = [256], strides = [1]} : vector<2048xi32> to vector<256xi32>
    %broadcast_in_dim3A_294 = vector.shape_cast %slice3A_293 : vector<256xi32> to vector<1x256xi32>
    %eq3A_295 = vector.broadcast %iota3A : vector<64x1xi32> to vector<64x256xi32>
    %eq3A_296 = vector.broadcast %broadcast_in_dim3A_294 : vector<1x256xi32> to vector<64x256xi32>
    %eq3A_297 = arith.cmpi eq, %eq3A_295, %eq3A_296 : vector<64x256xi32>
    %convert_element_type3A_298 = arith.extui %eq3A_297 : vector<64x256xi1> to vector<64x256xi32>
    %convert_element_type3A_299 = arith.sitofp %convert_element_type3A_298 : vector<64x256xi32> to vector<64x256xf32>
    %dot_general3A_300 = arith.constant dense<0.000000e+00> : vector<64x256xf32>
    %dot_general3A_301 = tpu.matmul %convert_element_type3A_299, %convert_element_type3A_53, %dot_general3A_300 {dimension_numbers = #tpu.dot_dimension_numbers<[1], [0], [0], [1], [0, 0, 1, 1], [], []>, transpose_lhs_hint = false} : vector<64x256xf32>, vector<256x256xf32>, vector<64x256xf32> -> vector<64x256xf32>
    %add3A_302 = vector.broadcast %add3A_277 : vector<64x1xf32> to vector<64x256xf32>
    %add3A_303 = arith.addf %dot_general3A_301, %add3A_302 : vector<64x256xf32>
    %mul3A_304 = arith.mulf %add3A_303, %convert_element_type3A_299 : vector<64x256xf32>
    %reduce_sum3A_305 = arith.constant dense<0.000000e+00> : vector<256xf32>
    %reduce_sum3A_306 = vector.multi_reduction <add>, %mul3A_304, %reduce_sum3A_305 [0] : vector<64x256xf32> to vector<256xf32>
    %convert_element_type3A_307 = arith.fptosi %reduce_sum3A_306 : vector<256xf32> to vector<256xi32>
    %lt3A_308 = arith.constant 128 : i32
    %lt3A_309 = vector.broadcast %lt3A_308 : i32 to vector<256xi32>
    %lt3A_310 = arith.cmpi slt, %convert_element_type3A_307, %lt3A_309 : vector<256xi32>
    %mul3A_311 = arith.constant 128 : i32
    %mul3A_312 = vector.broadcast %mul3A_311 : i32 to vector<256xi32>
    %mul3A_313 = arith.muli %slice3A_293, %mul3A_312 : vector<256xi32>
    %add3A_314 = arith.addi %mul3A_313, %convert_element_type3A_307 : vector<256xi32>
    %jit3A_315 = arith.constant 8192 : i32
    %broadcast_in_dim3A_316 = vector.broadcast %jit3A_315 : i32 to vector<256xi32>
    %select_n3A_317 = arith.select %lt3A_310, %add3A_314, %broadcast_in_dim3A_316 : vector<256xi1>, vector<256xi32>
    %swap3A_318 = arith.constant 0 : index
    %swap3A_319 = arith.constant 1792 : index
    %swap3A_320 = vector.load %arg5[%swap3A_318, %swap3A_319] : memref<1x2048xi32, #tpu.memory_space<vmem>>, vector<1x256xi32>
    %swap3A_321 = vector.shape_cast %swap3A_320 : vector<1x256xi32> to vector<256xi32>
    %swap3A_322 = vector.shape_cast %select_n3A_317 : vector<256xi32> to vector<1x256xi32>
    tpu.vector_store %arg5[%swap3A_318, %swap3A_319], %swap3A_322 {strides = array<i32>} : memref<1x2048xi32, #tpu.memory_space<vmem>>, vector<1x256xi32>,
    return
  }
}

module attributes {stable_mosaic.version = 14 : i64} {
  func.func @_ffn_body(%arg0: i32, %arg1: memref<1x128x384xi32, #tpu.memory_space<vmem>>, %arg2: memref<1x768x1024xf32, #tpu.memory_space<vmem>>, %arg3: memref<1x1x1024xf32, #tpu.memory_space<vmem>>, %arg4: memref<1x1024x768xf32, #tpu.memory_space<vmem>>, %arg5: memref<1x1x768xf32, #tpu.memory_space<vmem>>, %arg6: memref<1x128x384xi32, #tpu.memory_space<vmem>>) attributes {dimension_semantics = [#tpu.dimension_semantics<arbitrary>], iteration_bounds = array<i64: 65>, scalar_prefetch = 0 : i64, scratch_operands = 0 : i64, tpu.core_type = #tpu.core_type<tc>, window_params = [{transform_indices = @transform_0, window_bounds = array<i64: 1, 128, 384>}, {transform_indices = @transform_1, window_bounds = array<i64: 1, 768, 1024>}, {transform_indices = @transform_2, window_bounds = array<i64: 1, 1, 1024>}, {transform_indices = @transform_3, window_bounds = array<i64: 1, 1024, 768>}, {transform_indices = @transform_4, window_bounds = array<i64: 1, 1, 768>}, {transform_indices = @transform_5, window_bounds = array<i64: 1, 128, 384>}]} {
    %get3A = arith.constant 0 : index
    %get3A_0 = arith.constant 0 : index
    %get3A_1 = arith.constant 0 : index
    %get3A_2 = vector.load %arg1[%get3A, %get3A_0, %get3A_1] : memref<1x128x384xi32, #tpu.memory_space<vmem>>, vector<1x128x384xi32>
    %get3A_3 = vector.shape_cast %get3A_2 : vector<1x128x384xi32> to vector<128x384xi32>
    %bitcast_convert_type3A = tpu.bitcast %get3A_3 : vector<128x384xi32> -> vector<128x384xi32>
    %and3A = arith.constant 65535 : i32
    %and3A_4 = vector.broadcast %and3A : i32 to vector<128x384xi32>
    %and3A_5 = arith.andi %bitcast_convert_type3A, %and3A_4 : vector<128x384xi32>
    %convert_element_type3A = arith.trunci %and3A_5 : vector<128x384xi32> to vector<128x384xi16>
    %bitcast_convert_type3A_6 = tpu.bitcast %convert_element_type3A : vector<128x384xi16> -> vector<128x384xbf16>
    %shift_right_logical3A = arith.constant 16 : i32
    %shift_right_logical3A_7 = vector.broadcast %shift_right_logical3A : i32 to vector<128x384xi32>
    %shift_right_logical3A_8 = arith.shrui %bitcast_convert_type3A, %shift_right_logical3A_7 : vector<128x384xi32>
    %convert_element_type3A_9 = arith.trunci %shift_right_logical3A_8 : vector<128x384xi32> to vector<128x384xi16>
    %bitcast_convert_type3A_10 = tpu.bitcast %convert_element_type3A_9 : vector<128x384xi16> -> vector<128x384xbf16>
    %concatenate3A = tpu.concatenate %bitcast_convert_type3A_6, %bitcast_convert_type3A_10 in 1 : vector<128x384xbf16>, vector<128x384xbf16> -> vector<128x768xbf16>
    %convert_element_type3A_11 = arith.extf %concatenate3A : vector<128x768xbf16> to vector<128x768xf32>
    %get3A_12 = arith.constant 0 : index
    %get3A_13 = arith.constant 0 : index
    %get3A_14 = arith.constant 0 : index
    %get3A_15 = vector.load %arg2[%get3A_12, %get3A_13, %get3A_14] : memref<1x768x1024xf32, #tpu.memory_space<vmem>>, vector<1x768x1024xf32>
    %get3A_16 = vector.shape_cast %get3A_15 : vector<1x768x1024xf32> to vector<768x1024xf32>
    %dot_general3A = arith.constant dense<0.000000e+00> : vector<128x1024xf32>
    %dot_general3A_17 = tpu.matmul %convert_element_type3A_11, %get3A_16, %dot_general3A {dimension_numbers = #tpu.dot_dimension_numbers<[1], [0], [0], [1], [0, 0, 1, 1], [], []>, transpose_lhs_hint = false} : vector<128x768xf32>, vector<768x1024xf32>, vector<128x1024xf32> -> vector<128x1024xf32>
    %get3A_18 = arith.constant 0 : index
    %get3A_19 = arith.constant 0 : index
    %get3A_20 = arith.constant 0 : index
    %get3A_21 = vector.load %arg3[%get3A_18, %get3A_19, %get3A_20] : memref<1x1x1024xf32, #tpu.memory_space<vmem>>, vector<1x1x1024xf32>
    %get3A_22 = vector.shape_cast %get3A_21 : vector<1x1x1024xf32> to vector<1x1024xf32>
    %add3A = vector.broadcast %get3A_22 : vector<1x1024xf32> to vector<128x1024xf32>
    %add3A_23 = arith.addf %dot_general3A_17, %add3A : vector<128x1024xf32>
    %mul3A = arith.constant 5.000000e-01 : f32
    %mul3A_24 = vector.broadcast %mul3A : f32 to vector<128x1024xf32>
    %mul3A_25 = arith.mulf %mul3A_24, %add3A_23 : vector<128x1024xf32>
    %mul3A_26 = arith.constant 0.707106769 : f32
    %mul3A_27 = vector.broadcast %mul3A_26 : f32 to vector<128x1024xf32>
    %mul3A_28 = arith.mulf %add3A_23, %mul3A_27 : vector<128x1024xf32>
    %erf3A = math.erf %mul3A_28 : vector<128x1024xf32>
    %add3A_29 = arith.constant 1.000000e+00 : f32
    %add3A_30 = vector.broadcast %add3A_29 : f32 to vector<128x1024xf32>
    %add3A_31 = arith.addf %add3A_30, %erf3A : vector<128x1024xf32>
    %mul3A_32 = arith.mulf %mul3A_25, %add3A_31 : vector<128x1024xf32>
    %get3A_33 = arith.constant 0 : index
    %get3A_34 = arith.constant 0 : index
    %get3A_35 = arith.constant 0 : index
    %get3A_36 = vector.load %arg4[%get3A_33, %get3A_34, %get3A_35] : memref<1x1024x768xf32, #tpu.memory_space<vmem>>, vector<1x1024x768xf32>
    %get3A_37 = vector.shape_cast %get3A_36 : vector<1x1024x768xf32> to vector<1024x768xf32>
    %dot_general3A_38 = arith.constant dense<0.000000e+00> : vector<128x768xf32>
    %dot_general3A_39 = tpu.matmul %mul3A_32, %get3A_37, %dot_general3A_38 {dimension_numbers = #tpu.dot_dimension_numbers<[1], [0], [0], [1], [0, 0, 1, 1], [], []>, transpose_lhs_hint = false} : vector<128x1024xf32>, vector<1024x768xf32>, vector<128x768xf32> -> vector<128x768xf32>
    %get3A_40 = arith.constant 0 : index
    %get3A_41 = arith.constant 0 : index
    %get3A_42 = arith.constant 0 : index
    %get3A_43 = vector.load %arg5[%get3A_40, %get3A_41, %get3A_42] : memref<1x1x768xf32, #tpu.memory_space<vmem>>, vector<1x1x768xf32>
    %get3A_44 = vector.shape_cast %get3A_43 : vector<1x1x768xf32> to vector<1x768xf32>
    %add3A_45 = vector.broadcast %get3A_44 : vector<1x768xf32> to vector<128x768xf32>
    %add3A_46 = arith.addf %dot_general3A_39, %add3A_45 : vector<128x768xf32>
    %lt3A = arith.constant 64 : i32
    %lt3A_47 = arith.cmpi slt, %arg0, %lt3A : i32
    %jit3A = arith.constant 0.000000e+00 : f32
    %broadcast_in_dim3A = vector.broadcast %jit3A : f32 to vector<128x768xf32>
    %select_n3A = arith.select %lt3A_47, %add3A_46, %broadcast_in_dim3A : vector<128x768xf32>
    %convert_element_type3A_48 = arith.truncf %select_n3A : vector<128x768xf32> to vector<128x768xbf16>
    %slice3A = vector.extract_strided_slice %convert_element_type3A_48 {offsets = [0, 0], sizes = [128, 384], strides = [1, 1]} : vector<128x768xbf16> to vector<128x384xbf16>
    %bitcast_convert_type3A_49 = tpu.bitcast %slice3A : vector<128x384xbf16> -> vector<128x384xi16>
    %convert_element_type3A_50 = arith.extui %bitcast_convert_type3A_49 : vector<128x384xi16> to vector<128x384xi32>
    %slice3A_51 = vector.extract_strided_slice %convert_element_type3A_48 {offsets = [0, 384], sizes = [128, 384], strides = [1, 1]} : vector<128x768xbf16> to vector<128x384xbf16>
    %bitcast_convert_type3A_52 = tpu.bitcast %slice3A_51 : vector<128x384xbf16> -> vector<128x384xi16>
    %convert_element_type3A_53 = arith.extui %bitcast_convert_type3A_52 : vector<128x384xi16> to vector<128x384xi32>
    %shift_left3A = arith.constant 16 : i32
    %shift_left3A_54 = vector.broadcast %shift_left3A : i32 to vector<128x384xi32>
    %shift_left3A_55 = arith.shli %convert_element_type3A_53, %shift_left3A_54 : vector<128x384xi32>
    %or3A = arith.ori %convert_element_type3A_50, %shift_left3A_55 : vector<128x384xi32>
    %bitcast_convert_type3A_56 = tpu.bitcast %or3A : vector<128x384xi32> -> vector<128x384xi32>
    %swap3A = arith.constant 0 : index
    %swap3A_57 = arith.constant 0 : index
    %swap3A_58 = arith.constant 0 : index
    %swap3A_59 = vector.load %arg6[%swap3A, %swap3A_57, %swap3A_58] : memref<1x128x384xi32, #tpu.memory_space<vmem>>, vector<1x128x384xi32>
    %swap3A_60 = vector.shape_cast %swap3A_59 : vector<1x128x384xi32> to vector<128x384xi32>
    %swap3A_61 = vector.shape_cast %bitcast_convert_type3A_56 : vector<128x384xi32> to vector<1x128x384xi32>
    tpu.vector_store %arg6[%swap3A, %swap3A_57, %swap3A_58], %swap3A_61 {strides = array<i32>} : memref<1x128x384xi32, #tpu.memory_space<vmem>>, vector<1x128x384xi32>,
    return
  }
  func.func @transform_0(%arg0: i32) -> (i32, i32, i32) {
    %c0_i32 = arith.constant 0 : i32
    %c0_i32_0 = arith.constant 0 : i32
    %c0_i32_1 = arith.constant 0 : i32
    return %arg0, %c0_i32, %c0_i32_0 : i32, i32, i32
  }
  func.func @transform_1(%arg0: i32) -> (i32, i32, i32) {
    %min3A = arith.constant 63 : i32
    %min3A_0 = arith.minsi %arg0, %min3A : i32
    %c0_i32 = arith.constant 0 : i32
    %c0_i32_1 = arith.constant 0 : i32
    %c0_i32_2 = arith.constant 0 : i32
    return %min3A_0, %c0_i32, %c0_i32_1 : i32, i32, i32
  }
  func.func @transform_2(%arg0: i32) -> (i32, i32, i32) {
    %min3A = arith.constant 63 : i32
    %min3A_0 = arith.minsi %arg0, %min3A : i32
    %c0_i32 = arith.constant 0 : i32
    %c0_i32_1 = arith.constant 0 : i32
    %c0_i32_2 = arith.constant 0 : i32
    return %min3A_0, %c0_i32, %c0_i32_1 : i32, i32, i32
  }
  func.func @transform_3(%arg0: i32) -> (i32, i32, i32) {
    %min3A = arith.constant 63 : i32
    %min3A_0 = arith.minsi %arg0, %min3A : i32
    %c0_i32 = arith.constant 0 : i32
    %c0_i32_1 = arith.constant 0 : i32
    %c0_i32_2 = arith.constant 0 : i32
    return %min3A_0, %c0_i32, %c0_i32_1 : i32, i32, i32
  }
  func.func @transform_4(%arg0: i32) -> (i32, i32, i32) {
    %min3A = arith.constant 63 : i32
    %min3A_0 = arith.minsi %arg0, %min3A : i32
    %c0_i32 = arith.constant 0 : i32
    %c0_i32_1 = arith.constant 0 : i32
    %c0_i32_2 = arith.constant 0 : i32
    return %min3A_0, %c0_i32, %c0_i32_1 : i32, i32, i32
  }
  func.func @transform_5(%arg0: i32) -> (i32, i32, i32) {
    %c0_i32 = arith.constant 0 : i32
    %c0_i32_0 = arith.constant 0 : i32
    %c0_i32_1 = arith.constant 0 : i32
    return %arg0, %c0_i32, %c0_i32_0 : i32, i32, i32
  }
}

</mosaic_0001>

<sc_bundles>
// kernel: kernel.6.cloned.1.call-start
scs
__scs_entry_jumppad:
0x0: {  	(pc) =	sbr.rel $0x88, $3  }
0x1: {  	(tag) =	ssettag $0x0;
	lr =	simm.s32 $0x1  }
0x2: {  	[smem:$0x3F9B] =	sst lr;
	_ =	strace $0xD0000000  }
0x3: {  	_ = 	snop  }
0x4: {  	_ = 	snop  }
0x5: {  	_ = 	snop  }
0x6: {  	_ = 	snop  }
0x7: {  	_ = 	snop  }
__scs_overlays_trampoline_lowered:
0x8: {  	[smem:$0x3FAA] =	sst s0  }
0x9: {  	[smem:$0x3FAB] =	sst s1  }
0xa: {  	[smem:$0x3FAC] =	sst s2  }
0xb: {  	[smem:$0x3FAD] =	sst s3  }
0xc: {  	[smem:$0x3FAE] =	sst s4  }
0xd: {  	[smem:$0x3FAF] =	sst s5  }
0xe: {  	[smem:$0x3FB0] =	sst s6  }
0xf: {  	[smem:$0x3FB1] =	sst s7  }
0x10: {  	[smem:$0x3FB2] =	sst s8  }
0x11: {  	[smem:$0x3FB3] =	sst s9;
	s0 =	simm.s32 @!p0 $0x0  }
0x12: {  	s1 =	sld [smem:$0x3F99];
	s0 =	simm.s32 @p0 $0x1  }
0x13: {  	[smem:$0x3FB4] =	sst s0;
	s0 =	simm.s32 @!p1 $0x0  }
0x14: {  	s2 =	sld [smem:$0x3F98];
	s0 =	simm.s32 @p1 $0x1  }
0x15: {  	[smem:$0x3FB5] =	sst s0;
	s0 =	simm.s32 @!p2 $0x0  }
0x16: {  	s3 =	sld [smem:$0x3FDB];
	s0 =	simm.s32 @p2 $0x1  }
0x17: {  	s4 =	simm.s32 $0x1BF5;
	[smem:$0x3FB7] =	sst s0  }
0x18: {  	s0 =	sld [smem:$0x3F9A];
	_ =	swait.ge [sflag:s4], $0x0  }
0x19: {  	s7 =	sld [smem:$0x3F9B]  }
0x1a: {  	s8 =	sadd.s32 $0xFFFFE003, lr  }
0x1b: {  	s9 =	sadd.s32 $0xFFFFFEF7, lr;
	s5 =	simm.s32 $0xFFFFFFFF;
	p2 =	slt.u32 s8, $0xFFFFF086  }
0x1c: {  	p1 =	slt.u32 s9, $0xF7A;
	s5 =	simm.s32 @!p2 $0x0  }
0x1d: {  	s5 =	simm.s32 @p1 $0x1;
	p0 =	seq.s32 s7, s2  }
0x1e: {  	s7 =	smul.u32 @!p0 $0xF7A, s2;
	p2 =	seq.s32 @!p0 s5, $0x0  }
0x1f: {  	s9 =	smul.u32 $0xF7A, s1;
	s8 =	simm.s32 @!p0 $0x1BF5;
	p2 =	por !p2, p0  }
0x20: {  	[sflag:s8] =	ssyncset.s32 @!p0 $0xFFFFF086;
	s6 =	sadd.s32 @!p0 s3, s7;
	s7 =	simm.s32 @!p0 $0x108  }
0x21: {  	s3 =	sadd.s32 s3, s9;
	s6 =	sadd.s32 @!p0 $0x88, s6;
	s7 =	simm.s32 @p2 $0x1082  }
0x22: {  	[simem:s7], [sflag:s8] =	dma.local @!p0 [hbm:s6], $0xF7A  }
0x23: {  	s9 =	sor.u32 $0xD0000000, s2;
	s6 =	simm.s32 $0x108;
	_ =	swait.ge @!p0 [sflag:s8], $0x0  }
0x24: {  	s3 =	sadd.s32 $0x88, s3;
	s6 =	simm.s32 @!p1 $0x1082;
	[sflag:s4] =	ssyncset.s32 $0xFFFFF086  }
0x25: {  	[simem:s6], [sflag:s4] =	dma.local [hbm:s3], $0xF7A  }
0x26: {  	[smem:$0x3F9B] =	sst s1;
	(tag) =	ssettag s2;
	_ =	strace s9  }
0x27: {  	s1 =	sld [smem:$0x3FAB]  }
0x28: {  	s2 =	sld [smem:$0x3FAC]  }
0x29: {  	s4 =	sld [smem:$0x3FAE]  }
0x2a: {  	p0 =	seq.s32 s5, $0x0;
	s5 =	sld [smem:$0x3FAF]  }
0x2b: {  	s6 =	sld [smem:$0x3FB0]  }
0x2c: {  	s7 =	sld [smem:$0x3FB1]  }
0x2d: {  	s3 =	simm.s32 $0x108;
	s8 =	sld [smem:$0x3FB2]  }
0x2e: {  	s3 =	simm.s32 @!p0 $0x1082;
	s9 =	sld [smem:$0x3FB3]  }
0x2f: {  	lr =	sadd.s32 s0, s3;
	s0 =	sld [smem:$0x3FAA]  }
0x30: {  	s3 =	sld [smem:$0x3FAD]  }
0x31: {  	[smem:$0x3FB6] =	sst s10  }
0x32: {  	s10 =	sld [smem:$0x3FB4];
	_ =	sdelay $0x3  }
0x33: {  	p0 =	seq.s32 s10, $0x1;
	s10 =	sld [smem:$0x3FB6];
	_ =	sdelay $0x3  }
0x34: {  	[smem:$0x3FB6] =	sst s10  }
0x35: {  	s10 =	sld [smem:$0x3FB5];
	_ =	sdelay $0x3  }
0x36: {  	p1 =	seq.s32 s10, $0x1;
	s10 =	sld [smem:$0x3FB6];
	_ =	sdelay $0x3  }
0x37: {  	[smem:$0x3FB6] =	sst s10  }
0x38: {  	s10 =	sld [smem:$0x3FB7]  }
0x39: {  	_ = 	snop;
	(pc) =	sbr.ind lr, $3  }
0x3a: {  	_ = 	snop  }
0x3b: {  	_ = 	snop  }
0x3c: {  	p2 =	seq.s32 s10, $0x1;
	s10 =	sld [smem:$0x3FB6]  }
0x3d: {  	_ =	shalt  }
0x3e: {  	_ =	shalt  }
0x3f: {  	_ =	shalt  }
0x40: {  	_ =	shalt  }
0x41: {  	_ =	shalt  }
0x42: {  	_ =	shalt  }
0x43: {  	_ =	shalt  }
0x44: {  	_ =	shalt  }
0x45: {  	_ =	shalt  }
0x46: {  	_ =	shalt  }
0x47: {  	_ =	shalt  }
0x48: {  	_ =	shalt  }
0x49: {  	_ =	shalt  }
0x4a: {  	_ =	shalt  }
0x4b: {  	_ =	shalt  }
0x4c: {  	_ =	shalt  }
0x4d: {  	_ =	shalt  }
0x4e: {  	_ =	shalt  }
0x4f: {  	_ =	shalt  }
0x50: {  	_ =	shalt  }
0x51: {  	_ =	shalt  }
0x52: {  	_ =	shalt  }
0x53: {  	_ =	shalt  }
0x54: {  	_ =	shalt  }
0x55: {  	_ =	shalt  }
0x56: {  	_ =	shalt  }
0x57: {  	_ =	shalt  }
0x58: {  	_ =	shalt  }
0x59: {  	_ =	shalt  }
0x5a: {  	_ =	shalt  }
0x5b: {  	_ =	shalt  }
0x5c: {  	_ =	shalt  }
0x5d: {  	_ =	shalt  }
0x5e: {  	_ =	shalt  }
0x5f: {  	_ =	shalt  }
0x60: {  	_ =	shalt  }
0x61: {  	_ =	shalt  }
0x62: {  	_ =	shalt  }
0x63: {  	_ =	shalt  }
0x64: {  	_ =	shalt  }
0x65: {  	_ =	shalt  }
0x66: {  	_ =	shalt  }
0x67: {  	_ =	shalt  }
0x68: {  	_ =	shalt  }
0x69: {  	_ =	shalt  }
0x6a: {  	_ =	shalt  }
0x6b: {  	_ =	shalt  }
0x6c: {  	_ =	shalt  }
0x6d: {  	_ =	shalt  }
0x6e: {  	_ =	shalt  }
0x6f: {  	_ =	shalt  }
0x70: {  	_ =	shalt  }
0x71: {  	_ =	shalt  }
0x72: {  	_ =	shalt  }
0x73: {  	_ =	shalt  }
0x74: {  	_ =	shalt  }
0x75: {  	_ =	shalt  }
0x76: {  	_ =	shalt  }
0x77: {  	_ =	shalt  }
0x78: {  	_ =	shalt  }
0x79: {  	_ =	shalt  }
0x7a: {  	_ =	shalt  }
0x7b: {  	_ =	shalt  }
0x7c: {  	_ =	shalt  }
0x7d: {  	_ =	shalt  }
0x7e: {  	_ =	shalt  }
0x7f: {  	_ =	shalt  }
0x80: {  	_ =	shalt  }
0x81: {  	_ =	shalt  }
0x82: {  	_ =	shalt  }
0x83: {  	_ =	shalt  }
0x84: {  	_ =	shalt  }
0x85: {  	_ =	shalt  }
0x86: {  	_ =	shalt  }
0x87: {  	_ =	shalt  }
.Lfunc_end0:
.L_simem_size_0:
called_computation_lowered:
.L_overlay_start_0:
0x88: {  	s2 =	sld [smem:$0x3FD9]  }
0x89: {  	s3 =	sld [smem:$0x3FFE];
	_ =	sdelay $0x1  }
0x8a: {  	s1 =	srdreg.scid  }
0x8b: {  	s0 =	sand.u32 $0x1, s1  }
0x8c: {  	s14 =	sshll.u32 s0, $0xA;
	s2 =	sadd.s32 s3, s2  }
0x8d: {  	s2 =	sadd.s32 s2, s14  }
0x8e: {  	[smem:$0x3FC2] =	sst s2  }
0x8f: {  	_ = 	snop  }
0x90: {  	s2 =	sld [smem:$0x3FD0];
	_ =	sdelay $0x2  }
0x91: {  	s15 =	simm.s32 $0xA;
	s4 =	simm.s32 $0x10  }
0x92: {  	[smem:s4], [sflag:s15] =	dma.local [hbm:s2], $0x1  }
0x93: {  	_ =	swait.eq [sflag:s15], $0x1  }
0x94: {  	[sflag:s15] =	ssyncset.done $0x0  }
0x95: {  	[sflag:s15] =	ssyncadd.s32 $0xFFFFFFFF  }
0x96: {  	s16 =	sld [smem:$0x10];
	(tm) =	ssettm $0x1  }
0x97: {  	s17 =	sld [smem:$0x3FFB];
	_ =	sdelay $0x3  }
0x98: {  	_ =	strace s17  }
0x99: {  	s3 =	sld [smem:$0x3FFC];
	_ =	sdelay $0x3  }
0x9a: {  	_ =	strace s3  }
0x9b: {  	s3 =	sld [smem:$0x3FFD];
	_ =	sdelay $0x3  }
0x9c: {  	_ =	strace s3  }
0x9d: {  	_ =	strace $0x8FFFFFFF  }
0x9e: {  	s18 =	sld [smem:$0x3FDB];
	_ =	sdelay $0x1  }
0x9f: {  	s19 =	simm.s32 $_scs_section_size  }
0xa0: {  	s5 =	simm.s32 $_size__tile_overlayer_lowered;
	s6 =	simm.s32 $_tile_overlayer_lowered  }
0xa1: {  	s22 =	simm.s32 $0x1BFF;
	s21 =	sshll.u32 s6, $0x1;
	s3 =	sadd.s32 s19, s18  }
0xa2: {  	s7 =	simm.s32 $0x0;
	s20 =	sshll.u32 s5, $0x1;
	s5 =	sadd.s32 s21, s3  }
0xa3: {  	[timem:s7], [sflag:s22] =	dma.local [hbm:s5], s20  }
0xa4: {  	_ =	swait.ge [sflag:s22], s20  }
0xa5: {  	s4 =	ssub.s32 $0x0, s20;
	[sflag:s22] =	ssyncset.done $0x0  }
0xa6: {  	[sflag:s22] =	ssyncadd.s32 s4;
	_ =	sdelay $0x1  }
0xa7: {  	s23 =	simm.s32 $0x1B8B  }
0xa8: {  	_ =	swait.ge [sflag:s23], $0x1  }
0xa9: {  	[sflag:s23] =	ssyncset.done $0x0  }
0xaa: {  	s25 =	simm.s32 $0x1B8E;
	s24 =	sld [smem:$0x3FFE];
	[sflag:s23] =	ssyncadd.s32 $0xFFFFFFFF  }
0xab: {  	s26 =	simm.s32 $execute0_lowered;
	[smem:$0x3FD2] =	sst s25  }
0xac: {  	s5 =	sshll.u32 s26, $0x1;
	_ =	strace $0x80000046;
	[dreg:$0x1] =	wrdreg $0xFFFFFFFF  }
0xad: {  	s28 =	simm.s32 $_size_execute0_lowered;
	s3 =	sadd.s32 s3, s5;
	[dreg:$0x0] =	wrdreg $0x0  }
0xae: {  	s5 =	sshll.u32 s28, $0x1;
	[dreg:$0x2] =	wrdreg s3  }
0xaf: {  	[dreg:$0x3] =	wrdreg s5  }
0xb0: {  	[dreg:$0x4] =	wrdreg $0xC0  }
0xb1: {  	_ =	task [dreg:s7], $0x5FFFF  }
0xb2: {  	[dreg:$0x1] =	wrdreg $0xFFFFFFFF  }
0xb3: {  	[dreg:$0x0] =	wrdreg $0x60  }
0xb4: {  	[dreg:$0x2] =	wrdreg s16  }
0xb5: {  	[dreg:$0x3] =	wrdreg s24  }
0xb6: {  	[dreg:$0x4] =	wrdreg $0x9  }
0xb7: {  	_ =	task.clear_ibuf [dreg:s7], $0x5FFFF;
	_ =	strace $0x90000046  }
0xb8: {  	s29 =	simm.s32 $0x9;
	_ =	strace $0x80000048  }
0xb9: {  	_ =	swait.ge [sflag:s29], $0x1  }
0xba: {  	[sflag:s29] =	ssyncadd.s32 $0xFFFFFFFF  }
0xbb: {  	_ =	strace $0x90000048  }
0xbc: {  	_ =	sfence  }
0xbd: {  	s30 =	sld [smem:$0x0];
	_ =	sdelay $0x2  }
0xbe: {  	s31 =	sshll.u32 s1, $0xD;
	s1 =	sshrl.u32 s1, $0x2  }
0xbf: {  	s3 =	sand.u32 $0x4000, s31;
	s1 =	sadd.s32 s1, s30  }
0xc0: {  	s0 =	sor.u32 s3, s0;
	s1 =	sshll.u32 s1, $0x11  }
0xc1: {  	s0 =	sor.u32 s1, s0  }
0xc2: {  	s0 =	sadd.s32 $0x8F2B, s0  }
0xc3: {  	[sflag:s0] =	ssyncadd.remote.s32 $0x1  }
0xc4: {  	_ =	sfence.sel $0xFFFF  }
0xc5: {  	[dreg:$0x0] =	wrdreg $0xFFFFFFFF;
	(pc) =	sbr.abs _section_cstart, $3  }
0xc6: {  	[dreg:$0x1] =	wrdreg $0xFFFFFFFF  }
0xc7: {  	_ =	task.clear_ibuf [dreg:s7], $0x2FFFF;
	_ =	strace $0x9FFFFFFF  }
0xc8: {  	(tm) =	ssettm $0x7FFFFFFF  }
0xc9: {  	_ =	shalt  }
tec
execute0_lowered:
.L_overlay_start_1:
0x0: {  	(tag) =	ssettag $0x1  }
0x1: {  	s7 =	rddreg [dreg:$0x0]  }
0x2: {  	s8 =	rddreg [dreg:$0x1]  }
0x3: {  	s0 =	rddreg [dreg:$0x2];
	s2 =	simm.s32 $0x0;
	s3 =	srdreg.scid  }
0x4: {  	s1 =	stileid.u32;
	s13 =	simm.s32 $0x1;
	s14 =	simm.s32 $0x3  }
0x5: {  	s15 =	simm.s32 $0x900;
	s16 =	simm.s32 $0xD00;
	s17 =	simm.s32 $0x1500  }
0x6: {  	s18 =	simm.s32 $0x1900;
	s19 =	simm.s32 $0x2100;
	s20 =	simm.s32 $0x2500  }
0x7: {  	s21 =	simm.s32 $0x2D00;
	s22 =	simm.s32 $0x2;
	s23 =	simm.s32 $0x4  }
0x8: {  	s24 =	simm.s32 $0x3900;
	s25 =	simm.s32 $0x3D00;
	s28 =	simm.s32 $0x4900  }
0x9: {  	s29 =	simm.s32 $0x5100;
	s30 =	simm.s32 $0x5500;
	s31 =	simm.s32 $0x5D00  }
0xa: {  	[smem:$0x7FF] =	sst s2;
	s3 =	sand.u32 $0x1, s3;
	s4 =	sshll.u32 s1, $0x4  }
0xb: {  	s6 =	sadd.s32 $0x1A00, s8;
	_ =	strace $0x80000047;
	s5 =	sshll.u32 s3, $0x3  }
0xc: {  	s9 =	ssub.s32 $0x2, s3;
	s3 =	sadd.s32 $0x2000, s8;
	s4 =	sor.u32 s5, s4  }
0xd: {  	s8 =	sadd.s32 $0x2100, s8;
	s26 =	sshrl.u32 s9, $0x1;
	s10 =	sor.u32 $0x4, s4  }
0xe: {  	s11 =	smul.u32 $0x180, s4;
	s9 =	ssub.s32 s9, s26;
	s4 =	sadd.s32 s6, s4  }
0xf: {  	v2 =	vlaneseq.u32;
	s26 =	simm.s32 $0x4500;
	s12 =	smul.u32 $0x180, s10;
	s5 =	sadd.s32 s6, s10  }
0x10: {  	vm0 =	vmmov $0xffff;
	vm1 =	vmmov $0xff;
	v1 =	vshrl.u32 v2, $0x3;
	s9 =	smax.u32 s9, $0x1;
	s10 =	simm.s32 $0x80;
	s6 =	sadd.s32 s7, s11  }
0x11: {  	v0 =	vand.u32 $0x7, v2;
	v2 =	vor.u32 $0x8, v2;
	v1 =	vmul.u32 $0x8, v1;
	s11 =	simm.s32 $0x100;
	s7 =	sadd.s32 s7, s12;
	s12 =	simm.s32 $0x3100  }
.LBB2_1:
0x12: {  	[tilespmem:s2], [sflag:$0x1] =	stream.linear.gather [hbm4b:s4+s2], $0x20, $0x38;
	[tilespmem:$0x6100] =	vst v63  }
0x13: {  	_ = 	snop  }
0x14: {  	[tilespmem:s10], [sflag:$0x2] =	stream.linear.gather [hbm4b:s5+s2], $0x20, $0x38;
	[tilespmem:$0x6100] =	vst v63  }
0x15: {  	_ = 	snop  }
0x16: {  	[tilespmem:s11], [sflag:$0x3] =	stream.linear.gather [hbm4b:s6+s2], $0x3000, $0x38;
	[tilespmem:$0x6100] =	vst v63  }
0x17: {  	_ = 	snop  }
0x18: {  	[tilespmem:s12], [sflag:$0x4] =	stream.linear.gather [hbm4b:s7+s2], $0x3000, $0x38;
	[tilespmem:$0x6100] =	vst v63  }
0x19: {  	_ =	swait.ge [sflag:s13], $0x20  }
0x1a: {  	[sflag:s13] =	ssyncset.done $0x0  }
0x1b: {  	[sflag:s13] =	ssyncadd.s32 $0xFFFFFFE0  }
0x1c: {  	_ =	swait.ge [sflag:s14], $0x3000  }
0x1d: {  	[sflag:s14] =	ssyncset.done $0x0  }
0x1e: {  	[sflag:s14] =	ssyncadd.s32 $0xFFFFD000  }
0x1f: {  	v3 =	vld [tilespmem:$0x0];
	_ =	sdelay $0x4  }
0x20: {  	v4 =	vshrl.u32 v3, $0x3  }
0x21: {  	v4 =	vmul.u32 $0x18, v4  }
0x22: {  	v3 =	vand.u32 $0x7, v3  }
0x23: {  	v3 =	vor.u32 v3, v4  }
0x24: {  	v4 =	vperm.xlane v3, v0;
	_ =	sdelay $0x1  }
0x25: {  	v4 =	vadd.s32 v1, v4;
	_ =	sdelay $0x1  }
0x26: {  	v3 =	vperm.xlane v3, v2;
	_ =	sdelay $0x1  }
0x27: {  	v3 =	vadd.s32 v1, v3  }
0x28: {  	[hbm4b:s3+s2] =	stream.indirect_vreg.scatter [tilespmem:s11], [sflag:$0x1], $0x80, v4, vm0, $0xb8;
	[tilespmem:$0x6100] =	vst v63  }
0x29: {  	_ = 	snop  }
0x2a: {  	[hbm4b:s8+s2] =	stream.indirect_vreg.scatter [tilespmem:s15], [sflag:$0x1], $0x80, v4, vm1, $0xb8;
	[tilespmem:$0x6100] =	vst v63  }
0x2b: {  	_ = 	snop  }
0x2c: {  	[hbm4b:s3+s2] =	stream.indirect_vreg.scatter [tilespmem:s16], [sflag:$0x1], $0x80, v3, vm0, $0xb8;
	[tilespmem:$0x6100] =	vst v63  }
0x2d: {  	_ = 	snop  }
0x2e: {  	[hbm4b:s8+s2] =	stream.indirect_vreg.scatter [tilespmem:s17], [sflag:$0x1], $0x80, v3, vm1, $0xb8;
	[tilespmem:$0x6100] =	vst v63  }
0x2f: {  	v3 =	vld [tilespmem:$0x10];
	_ =	sdelay $0x4  }
0x30: {  	v61 =	vshrl.u32 v3, $0x3  }
0x31: {  	v4 =	vmul.u32 $0x18, v61  }
0x32: {  	v3 =	vand.u32 $0x7, v3  }
0x33: {  	v3 =	vor.u32 v3, v4  }
0x34: {  	v4 =	vperm.xlane v3, v0;
	_ =	sdelay $0x1  }
0x35: {  	v4 =	vadd.s32 v1, v4;
	_ =	sdelay $0x1  }
0x36: {  	v3 =	vperm.xlane v3, v2;
	_ =	sdelay $0x1  }
0x37: {  	v3 =	vadd.s32 v1, v3  }
0x38: {  	[hbm4b:s3+s2] =	stream.indirect_vreg.scatter [tilespmem:s18], [sflag:$0x1], $0x80, v4, vm0, $0xb8;
	[tilespmem:$0x6100] =	vst v63  }
0x39: {  	_ = 	snop  }
0x3a: {  	[hbm4b:s8+s2] =	stream.indirect_vreg.scatter [tilespmem:s19], [sflag:$0x1], $0x80, v4, vm1, $0xb8;
	[tilespmem:$0x6100] =	vst v63  }
0x3b: {  	_ = 	snop  }
0x3c: {  	[hbm4b:s3+s2] =	stream.indirect_vreg.scatter [tilespmem:s20], [sflag:$0x1], $0x80, v3, vm0, $0xb8;
	[tilespmem:$0x6100] =	vst v63  }
0x3d: {  	_ = 	snop  }
0x3e: {  	[hbm4b:s8+s2] =	stream.indirect_vreg.scatter [tilespmem:s21], [sflag:$0x1], $0x80, v3, vm1, $0xb8;
	[tilespmem:$0x6100] =	vst v63  }
0x3f: {  	_ =	swait.ge [sflag:s22], $0x20  }
0x40: {  	[sflag:s22] =	ssyncset.done $0x0  }
0x41: {  	[sflag:s22] =	ssyncadd.s32 $0xFFFFFFE0  }
0x42: {  	_ =	swait.ge [sflag:s23], $0x3000  }
0x43: {  	[sflag:s23] =	ssyncset.done $0x0  }
0x44: {  	[sflag:s23] =	ssyncadd.s32 $0xFFFFD000  }
0x45: {  	v3 =	vld [tilespmem:$0x80];
	_ =	sdelay $0x4  }
0x46: {  	v62 =	vshrl.u32 v3, $0x3  }
0x47: {  	v4 =	vmul.u32 $0x18, v62  }
0x48: {  	v3 =	vand.u32 $0x7, v3  }
0x49: {  	v3 =	vor.u32 v3, v4  }
0x4a: {  	v4 =	vperm.xlane v3, v0;
	_ =	sdelay $0x1  }
0x4b: {  	v4 =	vadd.s32 v1, v4;
	_ =	sdelay $0x1  }
0x4c: {  	v3 =	vperm.xlane v3, v2;
	_ =	sdelay $0x1  }
0x4d: {  	v3 =	vadd.s32 v1, v3  }
0x4e: {  	[hbm4b:s3+s2] =	stream.indirect_vreg.scatter [tilespmem:s12], [sflag:$0x2], $0x80, v4, vm0, $0xb8;
	[tilespmem:$0x6100] =	vst v63  }
0x4f: {  	_ = 	snop  }
0x50: {  	[hbm4b:s8+s2] =	stream.indirect_vreg.scatter [tilespmem:s24], [sflag:$0x2], $0x80, v4, vm1, $0xb8;
	[tilespmem:$0x6100] =	vst v63  }
0x51: {  	_ = 	snop  }
0x52: {  	[hbm4b:s3+s2] =	stream.indirect_vreg.scatter [tilespmem:s25], [sflag:$0x2], $0x80, v3, vm0, $0xb8;
	[tilespmem:$0x6100] =	vst v63  }
0x53: {  	_ = 	snop  }
0x54: {  	[hbm4b:s8+s2] =	stream.indirect_vreg.scatter [tilespmem:s26], [sflag:$0x2], $0x80, v3, vm1, $0xb8;
	[tilespmem:$0x6100] =	vst v63  }
0x55: {  	v3 =	vld [tilespmem:$0x90];
	_ =	sdelay $0x4  }
0x56: {  	v63 =	vshrl.u32 v3, $0x3  }
0x57: {  	v4 =	vmul.u32 $0x18, v63  }
0x58: {  	v3 =	vand.u32 $0x7, v3  }
0x59: {  	v3 =	vor.u32 v3, v4  }
0x5a: {  	v4 =	vperm.xlane v3, v0;
	_ =	sdelay $0x1  }
0x5b: {  	v4 =	vadd.s32 v1, v4;
	_ =	sdelay $0x1  }
0x5c: {  	v3 =	vperm.xlane v3, v2;
	_ =	sdelay $0x1  }
0x5d: {  	v3 =	vadd.s32 v1, v3  }
0x5e: {  	[hbm4b:s3+s2] =	stream.indirect_vreg.scatter [tilespmem:s28], [sflag:$0x2], $0x80, v4, vm0, $0xb8;
	[tilespmem:$0x6100] =	vst v63  }
0x5f: {  	_ = 	snop  }
0x60: {  	[hbm4b:s8+s2] =	stream.indirect_vreg.scatter [tilespmem:s29], [sflag:$0x2], $0x80, v4, vm1, $0xb8;
	[tilespmem:$0x6100] =	vst v63  }
0x61: {  	_ = 	snop  }
0x62: {  	[hbm4b:s3+s2] =	stream.indirect_vreg.scatter [tilespmem:s30], [sflag:$0x2], $0x80, v3, vm0, $0xb8;
	[tilespmem:$0x6100] =	vst v63  }
0x63: {  	_ = 	snop  }
0x64: {  	[hbm4b:s8+s2] =	stream.indirect_vreg.scatter [tilespmem:s31], [sflag:$0x2], $0x80, v3, vm1, $0xb8;
	[tilespmem:$0x6100] =	vst v63  }
0x65: {  	p0 =	sne.s32 s9, $0x1;
	_ =	swait.ge [sflag:s13], $0x3000  }
.Ltmp0:
0x66: {  	[sflag:s13] =	ssyncset.done $0x0;
	(pc) =	sbr.rel @p0 .LBB2_1-.Ltmp0, $4  }
0x67: {  	[sflag:s13] =	ssyncadd.s32 $0xFFFFD000  }
0x68: {  	_ =	swait.ge [sflag:s22], $0x3000  }
0x69: {  	[sflag:s22] =	ssyncset.done $0x0  }
0x6a: {  	s9 =	sadd.s32 $0xFFFFFFFF, s9;
	[sflag:s22] =	ssyncadd.s32 $0xFFFFD000  }
0x6b: {  	_ =	sfence.sel $0x180000  }
0x6c: {  	[bflag:$0x0] =	sbarrier.arrive $0xFFFF  }
0x6d: {  	p0 =	sne.s32 s1, $0x0;
	_ =	strace $0x90000047  }
0x6e: {  	s0 =	sadd.s32 @!p0 $0x100000, s0;
	[bflag:$0x2] =	sbarrier.arrive $0xFFFF  }
0x6f: {  	[sflag:s0] =	ssyncadd.tile.s32 @!p0 $0x1;
	_ =	shalt  }
.Lfunc_end2:
_tile_overlayer_lowered:
.L_overlay_start_2:
0x70: {  	(tag) =	ssettag $0x2  }
0x71: {  	s0 =	rddreg [dreg:$0x0];
	s2 =	stileid.u32  }
0x72: {  	s1 =	rddreg [dreg:$0x1];
	p0 =	sne.s32 s2, $0x0  }
0x73: {  	s3 =	rddreg [dreg:$0x2];
	[bflag:$0x3] =	sbarrier.arrive $0xFFFF;
	s2 =	simm.s32 @!p0 $0x1C05  }
0x74: {  	[timem:s3], [sflag:s2] =	dma.local @!p0 [hbm:s0], s1  }
0x75: {  	s0 =	simm.s32 @!p0 $0x5  }
0x76: {  	_ =	swait.ge @!p0 [sflag:s0], s1  }
0x77: {  	s1 =	ssub.s32 @!p0 $0x0, s1;
	[sflag:s0] =	ssyncset.done @!p0 $0x0  }
0x78: {  	[sflag:s0] =	ssyncadd.s32 @!p0 s1  }
0x79: {  	[bflag:$0x3] =	sbarrier.arrive $0xFFFF  }
0x7a: {  	_ =	shalt  }

// kernel: kernel.9.cloned.1.call-start
scs
__scs_entry_jumppad:
0x0: {  	(pc) =	sbr.rel $0x88, $3  }
0x1: {  	(tag) =	ssettag $0x0;
	lr =	simm.s32 $0x1  }
0x2: {  	[smem:$0x3F9B] =	sst lr;
	_ =	strace $0xD0000000  }
0x3: {  	_ = 	snop  }
0x4: {  	_ = 	snop  }
0x5: {  	_ = 	snop  }
0x6: {  	_ = 	snop  }
0x7: {  	_ = 	snop  }
__scs_overlays_trampoline_lowered:
0x8: {  	[smem:$0x3FAA] =	sst s0  }
0x9: {  	[smem:$0x3FAB] =	sst s1  }
0xa: {  	[smem:$0x3FAC] =	sst s2  }
0xb: {  	[smem:$0x3FAD] =	sst s3  }
0xc: {  	[smem:$0x3FAE] =	sst s4  }
0xd: {  	[smem:$0x3FAF] =	sst s5  }
0xe: {  	[smem:$0x3FB0] =	sst s6  }
0xf: {  	[smem:$0x3FB1] =	sst s7  }
0x10: {  	[smem:$0x3FB2] =	sst s8  }
0x11: {  	[smem:$0x3FB3] =	sst s9;
	s0 =	simm.s32 @!p0 $0x0  }
0x12: {  	s1 =	sld [smem:$0x3F99];
	s0 =	simm.s32 @p0 $0x1  }
0x13: {  	[smem:$0x3FB4] =	sst s0;
	s0 =	simm.s32 @!p1 $0x0  }
0x14: {  	s2 =	sld [smem:$0x3F98];
	s0 =	simm.s32 @p1 $0x1  }
0x15: {  	[smem:$0x3FB5] =	sst s0;
	s0 =	simm.s32 @!p2 $0x0  }
0x16: {  	s3 =	sld [smem:$0x3FDB];
	s0 =	simm.s32 @p2 $0x1  }
0x17: {  	s4 =	simm.s32 $0x1BF5;
	[smem:$0x3FB7] =	sst s0  }
0x18: {  	s0 =	sld [smem:$0x3F9A];
	_ =	swait.ge [sflag:s4], $0x0  }
0x19: {  	s7 =	sld [smem:$0x3F9B]  }
0x1a: {  	s8 =	sadd.s32 $0xFFFFE003, lr  }
0x1b: {  	s9 =	sadd.s32 $0xFFFFFEF7, lr;
	s5 =	simm.s32 $0xFFFFFFFF;
	p2 =	slt.u32 s8, $0xFFFFF086  }
0x1c: {  	p1 =	slt.u32 s9, $0xF7A;
	s5 =	simm.s32 @!p2 $0x0  }
0x1d: {  	s5 =	simm.s32 @p1 $0x1;
	p0 =	seq.s32 s7, s2  }
0x1e: {  	s7 =	smul.u32 @!p0 $0xF7A, s2;
	p2 =	seq.s32 @!p0 s5, $0x0  }
0x1f: {  	s9 =	smul.u32 $0xF7A, s1;
	s8 =	simm.s32 @!p0 $0x1BF5;
	p2 =	por !p2, p0  }
0x20: {  	[sflag:s8] =	ssyncset.s32 @!p0 $0xFFFFF086;
	s6 =	sadd.s32 @!p0 s3, s7;
	s7 =	simm.s32 @!p0 $0x108  }
0x21: {  	s3 =	sadd.s32 s3, s9;
	s6 =	sadd.s32 @!p0 $0x88, s6;
	s7 =	simm.s32 @p2 $0x1082  }
0x22: {  	[simem:s7], [sflag:s8] =	dma.local @!p0 [hbm:s6], $0xF7A  }
0x23: {  	s9 =	sor.u32 $0xD0000000, s2;
	s6 =	simm.s32 $0x108;
	_ =	swait.ge @!p0 [sflag:s8], $0x0  }
0x24: {  	s3 =	sadd.s32 $0x88, s3;
	s6 =	simm.s32 @!p1 $0x1082;
	[sflag:s4] =	ssyncset.s32 $0xFFFFF086  }
0x25: {  	[simem:s6], [sflag:s4] =	dma.local [hbm:s3], $0xF7A  }
0x26: {  	[smem:$0x3F9B] =	sst s1;
	(tag) =	ssettag s2;
	_ =	strace s9  }
0x27: {  	s1 =	sld [smem:$0x3FAB]  }
0x28: {  	s2 =	sld [smem:$0x3FAC]  }
0x29: {  	s4 =	sld [smem:$0x3FAE]  }
0x2a: {  	p0 =	seq.s32 s5, $0x0;
	s5 =	sld [smem:$0x3FAF]  }
0x2b: {  	s6 =	sld [smem:$0x3FB0]  }
0x2c: {  	s7 =	sld [smem:$0x3FB1]  }
0x2d: {  	s3 =	simm.s32 $0x108;
	s8 =	sld [smem:$0x3FB2]  }
0x2e: {  	s3 =	simm.s32 @!p0 $0x1082;
	s9 =	sld [smem:$0x3FB3]  }
0x2f: {  	lr =	sadd.s32 s0, s3;
	s0 =	sld [smem:$0x3FAA]  }
0x30: {  	s3 =	sld [smem:$0x3FAD]  }
0x31: {  	[smem:$0x3FB6] =	sst s10  }
0x32: {  	s10 =	sld [smem:$0x3FB4];
	_ =	sdelay $0x3  }
0x33: {  	p0 =	seq.s32 s10, $0x1;
	s10 =	sld [smem:$0x3FB6];
	_ =	sdelay $0x3  }
0x34: {  	[smem:$0x3FB6] =	sst s10  }
0x35: {  	s10 =	sld [smem:$0x3FB5];
	_ =	sdelay $0x3  }
0x36: {  	p1 =	seq.s32 s10, $0x1;
	s10 =	sld [smem:$0x3FB6];
	_ =	sdelay $0x3  }
0x37: {  	[smem:$0x3FB6] =	sst s10  }
0x38: {  	s10 =	sld [smem:$0x3FB7]  }
0x39: {  	_ = 	snop;
	(pc) =	sbr.ind lr, $3  }
0x3a: {  	_ = 	snop  }
0x3b: {  	_ = 	snop  }
0x3c: {  	p2 =	seq.s32 s10, $0x1;
	s10 =	sld [smem:$0x3FB6]  }
0x3d: {  	_ =	shalt  }
0x3e: {  	_ =	shalt  }
0x3f: {  	_ =	shalt  }
0x40: {  	_ =	shalt  }
0x41: {  	_ =	shalt  }
0x42: {  	_ =	shalt  }
0x43: {  	_ =	shalt  }
0x44: {  	_ =	shalt  }
0x45: {  	_ =	shalt  }
0x46: {  	_ =	shalt  }
0x47: {  	_ =	shalt  }
0x48: {  	_ =	shalt  }
0x49: {  	_ =	shalt  }
0x4a: {  	_ =	shalt  }
0x4b: {  	_ =	shalt  }
0x4c: {  	_ =	shalt  }
0x4d: {  	_ =	shalt  }
0x4e: {  	_ =	shalt  }
0x4f: {  	_ =	shalt  }
0x50: {  	_ =	shalt  }
0x51: {  	_ =	shalt  }
0x52: {  	_ =	shalt  }
0x53: {  	_ =	shalt  }
0x54: {  	_ =	shalt  }
0x55: {  	_ =	shalt  }
0x56: {  	_ =	shalt  }
0x57: {  	_ =	shalt  }
0x58: {  	_ =	shalt  }
0x59: {  	_ =	shalt  }
0x5a: {  	_ =	shalt  }
0x5b: {  	_ =	shalt  }
0x5c: {  	_ =	shalt  }
0x5d: {  	_ =	shalt  }
0x5e: {  	_ =	shalt  }
0x5f: {  	_ =	shalt  }
0x60: {  	_ =	shalt  }
0x61: {  	_ =	shalt  }
0x62: {  	_ =	shalt  }
0x63: {  	_ =	shalt  }
0x64: {  	_ =	shalt  }
0x65: {  	_ =	shalt  }
0x66: {  	_ =	shalt  }
0x67: {  	_ =	shalt  }
0x68: {  	_ =	shalt  }
0x69: {  	_ =	shalt  }
0x6a: {  	_ =	shalt  }
0x6b: {  	_ =	shalt  }
0x6c: {  	_ =	shalt  }
0x6d: {  	_ =	shalt  }
0x6e: {  	_ =	shalt  }
0x6f: {  	_ =	shalt  }
0x70: {  	_ =	shalt  }
0x71: {  	_ =	shalt  }
0x72: {  	_ =	shalt  }
0x73: {  	_ =	shalt  }
0x74: {  	_ =	shalt  }
0x75: {  	_ =	shalt  }
0x76: {  	_ =	shalt  }
0x77: {  	_ =	shalt  }
0x78: {  	_ =	shalt  }
0x79: {  	_ =	shalt  }
0x7a: {  	_ =	shalt  }
0x7b: {  	_ =	shalt  }
0x7c: {  	_ =	shalt  }
0x7d: {  	_ =	shalt  }
0x7e: {  	_ =	shalt  }
0x7f: {  	_ =	shalt  }
0x80: {  	_ =	shalt  }
0x81: {  	_ =	shalt  }
0x82: {  	_ =	shalt  }
0x83: {  	_ =	shalt  }
0x84: {  	_ =	shalt  }
0x85: {  	_ =	shalt  }
0x86: {  	_ =	shalt  }
0x87: {  	_ =	shalt  }
.Lfunc_end0:
.L_simem_size_0:
called_computation.1_lowered:
.L_overlay_start_0:
0x88: {  	s2 =	sld [smem:$0x3FD9]  }
0x89: {  	s3 =	sld [smem:$0x3FFE];
	_ =	sdelay $0x1  }
0x8a: {  	s1 =	srdreg.scid  }
0x8b: {  	s0 =	sand.u32 $0x1, s1  }
0x8c: {  	s14 =	sshll.u32 s0, $0xA;
	s2 =	sadd.s32 s3, s2  }
0x8d: {  	s2 =	sadd.s32 s2, s14  }
0x8e: {  	[smem:$0x3FC2] =	sst s2  }
0x8f: {  	_ = 	snop  }
0x90: {  	s2 =	sld [smem:$0x3FD0];
	_ =	sdelay $0x2  }
0x91: {  	s15 =	simm.s32 $0xA;
	s4 =	simm.s32 $0x10  }
0x92: {  	[smem:s4], [sflag:s15] =	dma.local [hbm:s2], $0x1  }
0x93: {  	_ =	swait.eq [sflag:s15], $0x1  }
0x94: {  	[sflag:s15] =	ssyncset.done $0x0  }
0x95: {  	[sflag:s15] =	ssyncadd.s32 $0xFFFFFFFF  }
0x96: {  	s16 =	sld [smem:$0x10];
	(tm) =	ssettm $0x1  }
0x97: {  	s17 =	sld [smem:$0x3FFB];
	_ =	sdelay $0x3  }
0x98: {  	_ =	strace s17  }
0x99: {  	s3 =	sld [smem:$0x3FFC];
	_ =	sdelay $0x3  }
0x9a: {  	_ =	strace s3  }
0x9b: {  	s3 =	sld [smem:$0x3FFD];
	_ =	sdelay $0x3  }
0x9c: {  	_ =	strace s3  }
0x9d: {  	_ =	strace $0x8FFFFFFF  }
0x9e: {  	s18 =	sld [smem:$0x3FDB];
	_ =	sdelay $0x1  }
0x9f: {  	s19 =	simm.s32 $_scs_section_size  }
0xa0: {  	s5 =	simm.s32 $_size__tile_overlayer_lowered;
	s6 =	simm.s32 $_tile_overlayer_lowered  }
0xa1: {  	s22 =	simm.s32 $0x1BFF;
	s21 =	sshll.u32 s6, $0x1;
	s3 =	sadd.s32 s19, s18  }
0xa2: {  	s7 =	simm.s32 $0x0;
	s20 =	sshll.u32 s5, $0x1;
	s5 =	sadd.s32 s21, s3  }
0xa3: {  	[timem:s7], [sflag:s22] =	dma.local [hbm:s5], s20  }
0xa4: {  	_ =	swait.ge [sflag:s22], s20  }
0xa5: {  	s4 =	ssub.s32 $0x0, s20;
	[sflag:s22] =	ssyncset.done $0x0  }
0xa6: {  	[sflag:s22] =	ssyncadd.s32 s4;
	_ =	sdelay $0x1  }
0xa7: {  	s23 =	simm.s32 $0x1B8B  }
0xa8: {  	_ =	swait.ge [sflag:s23], $0x1  }
0xa9: {  	[sflag:s23] =	ssyncset.done $0x0  }
0xaa: {  	s25 =	simm.s32 $0x1B8E;
	s24 =	sld [smem:$0x3FFE];
	[sflag:s23] =	ssyncadd.s32 $0xFFFFFFFF  }
0xab: {  	s26 =	simm.s32 $execute0_lowered;
	[smem:$0x3FD2] =	sst s25  }
0xac: {  	s5 =	sshll.u32 s26, $0x1;
	_ =	strace $0x80000049;
	[dreg:$0x1] =	wrdreg $0xFFFFFFFF  }
0xad: {  	s28 =	simm.s32 $_size_execute0_lowered;
	s3 =	sadd.s32 s3, s5;
	[dreg:$0x0] =	wrdreg $0x0  }
0xae: {  	s5 =	sshll.u32 s28, $0x1;
	[dreg:$0x2] =	wrdreg s3  }
0xaf: {  	[dreg:$0x3] =	wrdreg s5  }
0xb0: {  	[dreg:$0x4] =	wrdreg $0xC0  }
0xb1: {  	_ =	task [dreg:s7], $0x5FFFF  }
0xb2: {  	[dreg:$0x1] =	wrdreg $0xFFFFFFFF  }
0xb3: {  	[dreg:$0x0] =	wrdreg $0x60  }
0xb4: {  	[dreg:$0x2] =	wrdreg s24  }
0xb5: {  	[dreg:$0x3] =	wrdreg s16  }
0xb6: {  	[dreg:$0x4] =	wrdreg $0x9  }
0xb7: {  	_ =	task.clear_ibuf [dreg:s7], $0x5FFFF;
	_ =	strace $0x90000049  }
0xb8: {  	s29 =	simm.s32 $0x9;
	_ =	strace $0x8000004B  }
0xb9: {  	_ =	swait.ge [sflag:s29], $0x1  }
0xba: {  	[sflag:s29] =	ssyncadd.s32 $0xFFFFFFFF  }
0xbb: {  	_ =	strace $0x9000004B  }
0xbc: {  	_ =	sfence  }
0xbd: {  	s30 =	sld [smem:$0x0];
	_ =	sdelay $0x2  }
0xbe: {  	s31 =	sshll.u32 s1, $0xD;
	s1 =	sshrl.u32 s1, $0x2  }
0xbf: {  	s3 =	sand.u32 $0x4000, s31;
	s1 =	sadd.s32 s1, s30  }
0xc0: {  	s0 =	sor.u32 s3, s0;
	s1 =	sshll.u32 s1, $0x11  }
0xc1: {  	s0 =	sor.u32 s1, s0  }
0xc2: {  	s0 =	sadd.s32 $0x8F2B, s0  }
0xc3: {  	[sflag:s0] =	ssyncadd.remote.s32 $0x1  }
0xc4: {  	_ =	sfence.sel $0xFFFF  }
0xc5: {  	[dreg:$0x0] =	wrdreg $0xFFFFFFFF;
	(pc) =	sbr.abs _section_cstart, $3  }
0xc6: {  	[dreg:$0x1] =	wrdreg $0xFFFFFFFF  }
0xc7: {  	_ =	task.clear_ibuf [dreg:s7], $0x2FFFF;
	_ =	strace $0x9FFFFFFF  }
0xc8: {  	(tm) =	ssettm $0x7FFFFFFF  }
0xc9: {  	_ =	shalt  }
tec
execute0_lowered:
.L_overlay_start_1:
0x0: {  	(tag) =	ssettag $0x1  }
0x1: {  	s6 =	rddreg [dreg:$0x0]  }
0x2: {  	s8 =	rddreg [dreg:$0x1]  }
0x3: {  	s0 =	rddreg [dreg:$0x2];
	s2 =	simm.s32 $0x0;
	s3 =	srdreg.scid  }
0x4: {  	s1 =	stileid.u32;
	s14 =	simm.s32 $0xD00;
	s15 =	simm.s32 $0x1500  }
0x5: {  	s16 =	simm.s32 $0x1900;
	s17 =	simm.s32 $0x2100;
	s18 =	simm.s32 $0x2500  }
0x6: {  	s19 =	simm.s32 $0x2D00;
	s20 =	simm.s32 $0x2;
	s21 =	simm.s32 $0x3100  }
0x7: {  	s22 =	simm.s32 $0x3900;
	s23 =	simm.s32 $0x3D00;
	s24 =	simm.s32 $0x4500  }
0x8: {  	s25 =	simm.s32 $0x4900;
	s28 =	simm.s32 $0x5500;
	s29 =	simm.s32 $0x5D00  }
0x9: {  	s30 =	simm.s32 $0x3;
	s31 =	simm.s32 $0x4;
	[smem:$0x7FF] =	sst s2  }
0xa: {  	s4 =	sand.u32 $0x1, s3;
	s5 =	sshll.u32 s1, $0x4;
	s3 =	sadd.s32 $0x2000, s6  }
0xb: {  	s11 =	sadd.s32 $0x1A00, s6;
	s6 =	sadd.s32 $0x2100, s6;
	s7 =	sshll.u32 s4, $0x3  }
0xc: {  	_ =	strace $0x8000004A;
	s4 =	ssub.s32 $0x2, s4;
	s5 =	sor.u32 s7, s5  }
0xd: {  	s26 =	sshrl.u32 s4, $0x1;
	s9 =	sor.u32 $0x4, s5;
	s10 =	smul.u32 $0x180, s5  }
0xe: {  	s12 =	ssub.s32 s4, s26;
	s4 =	sadd.s32 s11, s5;
	s26 =	simm.s32 $0x5100  }
0xf: {  	v2 =	vlaneseq.u32;
	s13 =	smul.u32 $0x180, s9;
	s5 =	sadd.s32 s11, s9;
	s9 =	smax.u32 s12, $0x1  }
0x10: {  	vm0 =	vmmov $0xffff;
	vm1 =	vmmov $0xff;
	v1 =	vshrl.u32 v2, $0x3;
	s11 =	simm.s32 $0x1;
	s12 =	simm.s32 $0x100;
	s7 =	sadd.s32 s8, s10  }
0x11: {  	v0 =	vand.u32 $0x7, v2;
	v2 =	vor.u32 $0x8, v2;
	v1 =	vmul.u32 $0x8, v1;
	s10 =	simm.s32 $0x80;
	s8 =	sadd.s32 s8, s13;
	s13 =	simm.s32 $0x900  }
.LBB2_1:
0x12: {  	[tilespmem:s2], [sflag:$0x1] =	stream.linear.gather [hbm4b:s4+s2], $0x20, $0x38;
	[tilespmem:$0x6100] =	vst v63  }
0x13: {  	_ = 	snop  }
0x14: {  	[tilespmem:s10], [sflag:$0x2] =	stream.linear.gather [hbm4b:s5+s2], $0x20, $0x38;
	[tilespmem:$0x6100] =	vst v63  }
0x15: {  	_ =	swait.ge [sflag:s11], $0x20  }
0x16: {  	[sflag:s11] =	ssyncset.done $0x0  }
0x17: {  	[sflag:s11] =	ssyncadd.s32 $0xFFFFFFE0  }
0x18: {  	v3 =	vld [tilespmem:$0x0];
	_ =	sdelay $0x4  }
0x19: {  	v4 =	vshrl.u32 v3, $0x3  }
0x1a: {  	v4 =	vmul.u32 $0x18, v4  }
0x1b: {  	v3 =	vand.u32 $0x7, v3  }
0x1c: {  	v3 =	vor.u32 v3, v4  }
0x1d: {  	v4 =	vperm.xlane v3, v0;
	_ =	sdelay $0x1  }
0x1e: {  	v4 =	vadd.s32 v1, v4;
	_ =	sdelay $0x1  }
0x1f: {  	v3 =	vperm.xlane v3, v2;
	_ =	sdelay $0x1  }
0x20: {  	v3 =	vadd.s32 v1, v3  }
0x21: {  	[tilespmem:s12], [sflag:$0x3] =	stream.indirect_vreg.gather [hbm4b:s3+s2], $0x80, v4, vm0, $0xb8;
	[tilespmem:$0x6100] =	vst v63  }
0x22: {  	_ = 	snop  }
0x23: {  	[tilespmem:s13], [sflag:$0x3] =	stream.indirect_vreg.gather [hbm4b:s6+s2], $0x80, v4, vm1, $0xb8;
	[tilespmem:$0x6100] =	vst v63  }
0x24: {  	_ = 	snop  }
0x25: {  	[tilespmem:s14], [sflag:$0x3] =	stream.indirect_vreg.gather [hbm4b:s3+s2], $0x80, v3, vm0, $0xb8;
	[tilespmem:$0x6100] =	vst v63  }
0x26: {  	_ = 	snop  }
0x27: {  	[tilespmem:s15], [sflag:$0x3] =	stream.indirect_vreg.gather [hbm4b:s6+s2], $0x80, v3, vm1, $0xb8;
	[tilespmem:$0x6100] =	vst v63  }
0x28: {  	v3 =	vld [tilespmem:$0x10];
	_ =	sdelay $0x4  }
0x29: {  	v61 =	vshrl.u32 v3, $0x3  }
0x2a: {  	v4 =	vmul.u32 $0x18, v61  }
0x2b: {  	v3 =	vand.u32 $0x7, v3  }
0x2c: {  	v3 =	vor.u32 v3, v4  }
0x2d: {  	v4 =	vperm.xlane v3, v0;
	_ =	sdelay $0x1  }
0x2e: {  	v4 =	vadd.s32 v1, v4;
	_ =	sdelay $0x1  }
0x2f: {  	v3 =	vperm.xlane v3, v2;
	_ =	sdelay $0x1  }
0x30: {  	v3 =	vadd.s32 v1, v3  }
0x31: {  	[tilespmem:s16], [sflag:$0x3] =	stream.indirect_vreg.gather [hbm4b:s3+s2], $0x80, v4, vm0, $0xb8;
	[tilespmem:$0x6100] =	vst v63  }
0x32: {  	_ = 	snop  }
0x33: {  	[tilespmem:s17], [sflag:$0x3] =	stream.indirect_vreg.gather [hbm4b:s6+s2], $0x80, v4, vm1, $0xb8;
	[tilespmem:$0x6100] =	vst v63  }
0x34: {  	_ = 	snop  }
0x35: {  	[tilespmem:s18], [sflag:$0x3] =	stream.indirect_vreg.gather [hbm4b:s3+s2], $0x80, v3, vm0, $0xb8;
	[tilespmem:$0x6100] =	vst v63  }
0x36: {  	_ = 	snop  }
0x37: {  	[tilespmem:s19], [sflag:$0x3] =	stream.indirect_vreg.gather [hbm4b:s6+s2], $0x80, v3, vm1, $0xb8;
	[tilespmem:$0x6100] =	vst v63  }
0x38: {  	_ =	swait.ge [sflag:s20], $0x20  }
0x39: {  	[sflag:s20] =	ssyncset.done $0x0  }
0x3a: {  	[sflag:s20] =	ssyncadd.s32 $0xFFFFFFE0  }
0x3b: {  	v3 =	vld [tilespmem:$0x80];
	_ =	sdelay $0x4  }
0x3c: {  	v62 =	vshrl.u32 v3, $0x3  }
0x3d: {  	v4 =	vmul.u32 $0x18, v62  }
0x3e: {  	v3 =	vand.u32 $0x7, v3  }
0x3f: {  	v3 =	vor.u32 v3, v4  }
0x40: {  	v4 =	vperm.xlane v3, v0;
	_ =	sdelay $0x1  }
0x41: {  	v4 =	vadd.s32 v1, v4;
	_ =	sdelay $0x1  }
0x42: {  	v3 =	vperm.xlane v3, v2;
	_ =	sdelay $0x1  }
0x43: {  	v3 =	vadd.s32 v1, v3  }
0x44: {  	[tilespmem:s21], [sflag:$0x4] =	stream.indirect_vreg.gather [hbm4b:s3+s2], $0x80, v4, vm0, $0xb8;
	[tilespmem:$0x6100] =	vst v63  }
0x45: {  	_ = 	snop  }
0x46: {  	[tilespmem:s22], [sflag:$0x4] =	stream.indirect_vreg.gather [hbm4b:s6+s2], $0x80, v4, vm1, $0xb8;
	[tilespmem:$0x6100] =	vst v63  }
0x47: {  	_ = 	snop  }
0x48: {  	[tilespmem:s23], [sflag:$0x4] =	stream.indirect_vreg.gather [hbm4b:s3+s2], $0x80, v3, vm0, $0xb8;
	[tilespmem:$0x6100] =	vst v63  }
0x49: {  	_ = 	snop  }
0x4a: {  	[tilespmem:s24], [sflag:$0x4] =	stream.indirect_vreg.gather [hbm4b:s6+s2], $0x80, v3, vm1, $0xb8;
	[tilespmem:$0x6100] =	vst v63  }
0x4b: {  	v3 =	vld [tilespmem:$0x90];
	_ =	sdelay $0x4  }
0x4c: {  	v63 =	vshrl.u32 v3, $0x3  }
0x4d: {  	v4 =	vmul.u32 $0x18, v63  }
0x4e: {  	v3 =	vand.u32 $0x7, v3  }
0x4f: {  	v3 =	vor.u32 v3, v4  }
0x50: {  	v4 =	vperm.xlane v3, v0;
	_ =	sdelay $0x1  }
0x51: {  	v4 =	vadd.s32 v1, v4;
	_ =	sdelay $0x1  }
0x52: {  	v3 =	vperm.xlane v3, v2;
	_ =	sdelay $0x1  }
0x53: {  	v3 =	vadd.s32 v1, v3  }
0x54: {  	[tilespmem:s25], [sflag:$0x4] =	stream.indirect_vreg.gather [hbm4b:s3+s2], $0x80, v4, vm0, $0xb8;
	[tilespmem:$0x6100] =	vst v63  }
0x55: {  	_ = 	snop  }
0x56: {  	[tilespmem:s26], [sflag:$0x4] =	stream.indirect_vreg.gather [hbm4b:s6+s2], $0x80, v4, vm1, $0xb8;
	[tilespmem:$0x6100] =	vst v63  }
0x57: {  	_ = 	snop  }
0x58: {  	[tilespmem:s28], [sflag:$0x4] =	stream.indirect_vreg.gather [hbm4b:s3+s2], $0x80, v3, vm0, $0xb8;
	[tilespmem:$0x6100] =	vst v63  }
0x59: {  	_ = 	snop  }
0x5a: {  	[tilespmem:s29], [sflag:$0x4] =	stream.indirect_vreg.gather [hbm4b:s6+s2], $0x80, v3, vm1, $0xb8;
	[tilespmem:$0x6100] =	vst v63  }
0x5b: {  	_ =	swait.ge [sflag:s30], $0x3000  }
0x5c: {  	[sflag:s30] =	ssyncset.done $0x0  }
0x5d: {  	[sflag:s30] =	ssyncadd.s32 $0xFFFFD000  }
0x5e: {  	[hbm4b:s7+s2] =	stream.linear.scatter [tilespmem:s12], [sflag:$0x1], $0x3000, $0x38;
	[tilespmem:$0x6100] =	vst v63  }
0x5f: {  	_ =	swait.ge [sflag:s31], $0x3000  }
0x60: {  	[sflag:s31] =	ssyncset.done $0x0  }
0x61: {  	[sflag:s31] =	ssyncadd.s32 $0xFFFFD000  }
0x62: {  	[hbm4b:s8+s2] =	stream.linear.scatter [tilespmem:s21], [sflag:$0x2], $0x3000, $0x38;
	[tilespmem:$0x6100] =	vst v63  }
0x63: {  	p0 =	sne.s32 s9, $0x1;
	_ =	swait.ge [sflag:s11], $0x3000  }
.Ltmp0:
0x64: {  	[sflag:s11] =	ssyncset.done $0x0;
	(pc) =	sbr.rel @p0 .LBB2_1-.Ltmp0, $4  }
0x65: {  	[sflag:s11] =	ssyncadd.s32 $0xFFFFD000  }
0x66: {  	_ =	swait.ge [sflag:s20], $0x3000  }
0x67: {  	[sflag:s20] =	ssyncset.done $0x0  }
0x68: {  	s9 =	sadd.s32 $0xFFFFFFFF, s9;
	[sflag:s20] =	ssyncadd.s32 $0xFFFFD000  }
0x69: {  	_ =	sfence.sel $0x180000  }
0x6a: {  	[bflag:$0x0] =	sbarrier.arrive $0xFFFF  }
0x6b: {  	p0 =	sne.s32 s1, $0x0;
	_ =	strace $0x9000004A  }
0x6c: {  	s0 =	sadd.s32 @!p0 $0x100000, s0;
	[bflag:$0x2] =	sbarrier.arrive $0xFFFF  }
0x6d: {  	[sflag:s0] =	ssyncadd.tile.s32 @!p0 $0x1;
	_ =	shalt  }
.Lfunc_end2:
_tile_overlayer_lowered:
.L_overlay_start_2:
0x6e: {  	(tag) =	ssettag $0x2  }
0x6f: {  	s0 =	rddreg [dreg:$0x0];
	s2 =	stileid.u32  }
0x70: {  	s1 =	rddreg [dreg:$0x1];
	p0 =	sne.s32 s2, $0x0  }
0x71: {  	s3 =	rddreg [dreg:$0x2];
	[bflag:$0x3] =	sbarrier.arrive $0xFFFF;
	s2 =	simm.s32 @!p0 $0x1C05  }
0x72: {  	[timem:s3], [sflag:s2] =	dma.local @!p0 [hbm:s0], s1  }
0x73: {  	s0 =	simm.s32 @!p0 $0x5  }
0x74: {  	_ =	swait.ge @!p0 [sflag:s0], s1  }
0x75: {  	s1 =	ssub.s32 @!p0 $0x0, s1;
	[sflag:s0] =	ssyncset.done @!p0 $0x0  }
0x76: {  	[sflag:s0] =	ssyncadd.s32 @!p0 s1  }
0x77: {  	[bflag:$0x3] =	sbarrier.arrive $0xFFFF  }
0x78: {  	_ =	shalt  }

</sc_bundles>
